<compile_context>
chip_gen: v7x
topology: tpu7x:2x2x1
jax: 0.10.2.dev20260603
libtpu: 0.0.44.dev20260713+nightly
codegen_flags: <defaults>
</compile_context>

<pallas_src>
import functools

import jax
import jax.numpy as jnp
from jax import lax
from jax.experimental import pallas as pl
from jax.experimental.pallas import tpu as pltpu
from jax.experimental.pallas import tpu_sc as plsc

B = 16384
DIM = 128
NF = 31
BRAND_DIM = 16
BPR = DIM // BRAND_DIM
NC = 2
NS = 16
NW = NC * NS
BPW = B // NW
CHUNK = 128
NCH = BPW // CHUNK
L = 16


def _gather3_body(uid_ref, iid_ref, bid_ref, users_ref, items_ref, brands_ref,
                  u_out, i_out, b_out,
                  uidx, iidx, bidx,
                  ub0, ub1, ib0, ib1, bb0, bb1,
                  gs0, gs1, ws0, ws1):
    wid = lax.axis_index("s") * NC + lax.axis_index("c")
    row0 = wid * NCH
    base = wid * BPW
    pltpu.sync_copy(uid_ref.at[pl.ds(row0, NCH)], uidx)
    pltpu.sync_copy(iid_ref.at[pl.ds(row0, NCH)], iidx)
    pltpu.sync_copy(bid_ref.at[pl.ds(row0, NCH)], bidx)
    ubuf = (ub0, ub1)
    ibuf = (ib0, ib1)
    bbuf = (bb0, bb1)
    gsem = (gs0, gs1)
    wsem = (ws0, ws1)
    gh = [None, None]
    wh = [None, None]

    def fire_gathers(j, p):
        gh[p] = (pltpu.async_copy(users_ref.at[uidx.at[j]], ubuf[p], gsem[p]),
                 pltpu.async_copy(items_ref.at[iidx.at[j]], ibuf[p], gsem[p]),
                 pltpu.async_copy(brands_ref.at[bidx.at[j]], bbuf[p], gsem[p]))

    def fire_writebacks(j, p):
        off = base + j * CHUNK
        wh[p] = (pltpu.async_copy(ubuf[p], u_out.at[pl.ds(off, CHUNK)], wsem[p]),
                 pltpu.async_copy(ibuf[p], i_out.at[pl.ds(off, CHUNK)], wsem[p]),
                 pltpu.async_copy(bbuf[p], b_out.at[pl.ds(off, CHUNK)], wsem[p]))

    fire_gathers(0, 0)
    fire_gathers(1, 1)
    for j in range(NCH):
        p = j & 1
        for h in gh[p]:
            h.wait()
        fire_writebacks(j, p)
        if j + 2 < NCH:
            for h in wh[p]:
                h.wait()
            fire_gathers(j + 2, p)
    for p in (0, 1):
        if wh[p] is not None:
            for h in wh[p]:
                h.wait()


@functools.cache
def _build_gather3():
    mesh = plsc.VectorSubcoreMesh(core_axis_name="c", subcore_axis_name="s")
    return pl.kernel(
        _gather3_body,
        mesh=mesh,
        out_type=[
            jax.ShapeDtypeStruct((B, DIM), jnp.float32),
            jax.ShapeDtypeStruct((B, DIM), jnp.float32),
            jax.ShapeDtypeStruct((B, DIM), jnp.float32),
        ],
        scratch_types=[
            pltpu.VMEM((NCH, CHUNK), jnp.int32),
            pltpu.VMEM((NCH, CHUNK), jnp.int32),
            pltpu.VMEM((NCH, CHUNK), jnp.int32),
            pltpu.VMEM((CHUNK, DIM), jnp.float32),
            pltpu.VMEM((CHUNK, DIM), jnp.float32),
            pltpu.VMEM((CHUNK, DIM), jnp.float32),
            pltpu.VMEM((CHUNK, DIM), jnp.float32),
            pltpu.VMEM((CHUNK, DIM), jnp.float32),
            pltpu.VMEM((CHUNK, DIM), jnp.float32),
            pltpu.SemaphoreType.DMA,
            pltpu.SemaphoreType.DMA,
            pltpu.SemaphoreType.DMA,
            pltpu.SemaphoreType.DMA,
        ],
    )


BM = 4096


def _mlp_body(ue, ie, braw, inp, w1u, w1i, w1bt, w1all, b1, w2, b2, w3, b3,
              out):
    x = inp[...]
    m8 = lax.rem(x[:, 19:20].astype(jnp.int32), BPR)
    grp = lax.broadcasted_iota(jnp.int32, (BM, DIM), 1) // BRAND_DIM
    bz = jnp.where(grp == m8, braw[...], 0.0)
    h = (jnp.dot(ue[...], w1u[...], preferred_element_type=jnp.float32)
         + jnp.dot(ie[...], w1i[...], preferred_element_type=jnp.float32)
         + jnp.dot(bz, w1bt[...], preferred_element_type=jnp.float32)
         + jnp.dot(x, w1all[...], preferred_element_type=jnp.float32)
         + b1[...])
    h = jnp.maximum(h, 0.0)
    h2 = jnp.maximum(jnp.dot(h, w2[...], preferred_element_type=jnp.float32)
                     + b2[...], 0.0)
    out[...] = jnp.tanh(jnp.dot(h2, w3[...], preferred_element_type=jnp.float32)
                        + b3[...])


def _mlp(ue, ie, braw, inp, w1u, w1i, w1bt, w1all, b1, w2, b2, w3, b3,
         interpret=False):
    bspec = lambda bm, bn: pl.BlockSpec((bm, bn), lambda i: (i, 0))
    wspec = lambda m, n: pl.BlockSpec((m, n), lambda i: (0, 0))
    return pl.pallas_call(
        _mlp_body,
        grid=(B // BM,),
        in_specs=[
            bspec(BM, DIM), bspec(BM, DIM), bspec(BM, DIM), bspec(BM, NF),
            wspec(DIM, 128), wspec(DIM, 128), wspec(DIM, 128), wspec(NF, 128),
            wspec(1, 128), wspec(128, 32), wspec(1, 32), wspec(32, 1),
            wspec(1, 1),
        ],
        out_specs=pl.BlockSpec((BM, 1), lambda i: (i, 0)),
        out_shape=jax.ShapeDtypeStruct((B, 1), jnp.float32),
        interpret=interpret,
    )(ue, ie, braw, inp, w1u, w1i, w1bt, w1all, b1, w2, b2, w3, b3)


def kernel(inputs, users_emb, items_emb, brands_emb, W1, b1, W2, b2, W3, b3):
    brands_r = brands_emb.reshape(brands_emb.shape[0] // BPR, DIM)
    uid = inputs[:, 0].astype(jnp.int32).reshape(NW * NCH, CHUNK)
    iid = inputs[:, 1].astype(jnp.int32).reshape(NW * NCH, CHUNK)
    bid = (inputs[:, 19].astype(jnp.int32) // BPR).reshape(NW * NCH, CHUNK)
    ue, ie, braw = _build_gather3()(uid, iid, bid,
                                    users_emb, items_emb, brands_r)
    w1u = W1[0:DIM]
    w1i = W1[DIM:2 * DIM]
    w1bt = jnp.tile(W1[2 * DIM:2 * DIM + BRAND_DIM], (BPR, 1))
    w1all = (jnp.zeros((NF, 128), jnp.float32)
             .at[2:18].set(W1[2 * DIM + BRAND_DIM:2 * DIM + 2 * BRAND_DIM])
             .at[20:31].set(W1[2 * DIM + 2 * BRAND_DIM:]))
    return _mlp(ue, ie, braw, inputs, w1u, w1i, w1bt, w1all,
                b1.reshape(1, 128), W2, b2.reshape(1, 32),
                W3, b3.reshape(1, 1))

# --- scband reference (transcript-rebuilt; emitter-appended) ---
"""Pipeline reference for scband-content-based-filtering-47794396070406 (READ-ONLY COPY).

The authoritative reference and input builder live on the scoring server;
editing this copy changes nothing except your own understanding.
"""

import jax, jax.numpy as jnp
import numpy as np

N_USERS = 1000000
N_ITEMS = 100000
N_BRANDS = 100000
DIM = 128
BRAND_DIM = 16
CC_DIM = 16
BATCH = 16384
HIDDEN_IN = DIM + DIM + CC_DIM + BRAND_DIM + 11  # 299


def setup_inputs(seed: int = 0) -> dict:
    key = jax.random.key(seed)
    ks = jax.random.split(key, 12)
    # inputs: float32 [B, 31]; columns 0,1,19 are index columns (int values stored as float),
    # per input_specs fill=randint with fill_max=100000 (in range for all three tables)
    inputs = jax.random.randint(ks[0], (BATCH, 31), 0, 100000).astype(jnp.float32)
    users_emb = jax.random.normal(ks[1], (N_USERS, DIM), dtype=jnp.float32) * 0.02
    items_emb = jax.random.normal(ks[2], (N_ITEMS, DIM), dtype=jnp.float32) * 0.02
    brands_emb = jax.random.normal(ks[3], (N_BRANDS, BRAND_DIM), dtype=jnp.float32) * 0.02
    W1 = jax.random.normal(ks[4], (HIDDEN_IN, 128), dtype=jnp.float32) * 0.01
    b1 = jnp.zeros((128,), dtype=jnp.float32)
    W2 = jax.random.normal(ks[5], (128, 32), dtype=jnp.float32) * 0.05
    b2 = jnp.zeros((32,), dtype=jnp.float32)
    W3 = jax.random.normal(ks[6], (32, 1), dtype=jnp.float32) * 0.05
    b3 = jnp.zeros((1,), dtype=jnp.float32)
    return {"inputs": inputs, "users_emb": users_emb, "items_emb": items_emb,
            "brands_emb": brands_emb, "W1": W1, "b1": b1, "W2": W2, "b2": b2,
            "W3": W3, "b3": b3}


def reference(inputs, users_emb, items_emb, brands_emb, W1, b1, W2, b2, W3, b3):
    user_ids = inputs[:, 0].astype(jnp.int32)
    item_ids = inputs[:, 1].astype(jnp.int32)
    brand_ids = inputs[:, 19].astype(jnp.int32)
    otherfeatures = inputs[:, 20:]
    user_embeddings = jnp.take(users_emb, user_ids, axis=0)
    item_embeddings = jnp.take(items_emb, item_ids, axis=0)
    brand_embeddings = jnp.take(brands_emb, brand_ids, axis=0)
    category_code_embeddings = inputs[:, 2:18]
    hidden = jnp.concatenate([user_embeddings, item_embeddings, brand_embeddings,
                              category_code_embeddings, otherfeatures], axis=1)
    h = jax.nn.relu(hidden @ W1 + b1)
    h = jax.nn.relu(h @ W2 + b2)
    out = jnp.tanh(h @ W3 + b3)
    return out

if __name__ == "__main__":
    import jax
    _d = setup_inputs()
    print(jax.jit(kernel)(*tuple(_d.values())))

</pallas_src>

<mosaic_0001>
#map = affine_map<(d0, d1) -> (0, 0)>
module attributes {stable_mosaic.version = 14 : i64} {
  func.func @_gather3_body(%arg0: i32, %arg1: i32, %arg2: memref<128x128xi32, #tpu.memory_space<hbm>>, %arg3: memref<128x128xi32, #tpu.memory_space<hbm>>, %arg4: memref<128x128xi32, #tpu.memory_space<hbm>>, %arg5: memref<1000000x128xf32, #tpu.memory_space<hbm>>, %arg6: memref<100000x128xf32, #tpu.memory_space<hbm>>, %arg7: memref<12500x128xf32, #tpu.memory_space<hbm>>, %arg8: memref<16384x128xf32, #tpu.memory_space<hbm>>, %arg9: memref<16384x128xf32, #tpu.memory_space<hbm>>, %arg10: memref<16384x128xf32, #tpu.memory_space<hbm>>, %arg11: memref<4x128xi32, #tpu.memory_space<vmem>>, %arg12: memref<4x128xi32, #tpu.memory_space<vmem>>, %arg13: memref<4x128xi32, #tpu.memory_space<vmem>>, %arg14: memref<128x128xf32, #tpu.memory_space<vmem>>, %arg15: memref<128x128xf32, #tpu.memory_space<vmem>>, %arg16: memref<128x128xf32, #tpu.memory_space<vmem>>, %arg17: memref<128x128xf32, #tpu.memory_space<vmem>>, %arg18: memref<128x128xf32, #tpu.memory_space<vmem>>, %arg19: memref<128x128xf32, #tpu.memory_space<vmem>>, %arg20: memref<!tpu.dma_semaphore, #tpu.memory_space<semaphore_mem>>, %arg21: memref<!tpu.dma_semaphore, #tpu.memory_space<semaphore_mem>>, %arg22: memref<!tpu.dma_semaphore, #tpu.memory_space<semaphore_mem>>, %arg23: memref<!tpu.dma_semaphore, #tpu.memory_space<semaphore_mem>>) attributes {dimension_semantics = [#tpu.dimension_semantics<core_parallel>, #tpu.dimension_semantics<subcore_parallel>], iteration_bounds = array<i64: 2, 16>, scalar_prefetch = 0 : i64, scratch_operands = 13 : i64, tpu.core_type = #tpu.core_type<sc_vector_subcore>, window_params = [{transform_indices = #map}, {transform_indices = #map}, {transform_indices = #map}, {transform_indices = #map}, {transform_indices = #map}, {transform_indices = #map}, {transform_indices = #map}, {transform_indices = #map}, {transform_indices = #map}]} {
    %mul3A = arith.constant 2 : i32
    %mul3A_0 = arith.muli %arg1, %mul3A : i32
    %add3A = arith.addi %mul3A_0, %arg0 : i32
    %mul3A_1 = arith.constant 4 : i32
    %mul3A_2 = arith.muli %add3A, %mul3A_1 : i32
    %mul3A_3 = arith.constant 512 : i32
    %mul3A_4 = arith.muli %add3A, %mul3A_3 : i32
    "tpu.region"() ({
      %run_scoped3A = tpu.sem_alloc : memref<!tpu.dma_semaphore, #tpu.memory_space<semaphore_mem>>
      %dma_start3A_275 = arith.constant 0 : i32
      %dma_start3A_276 = tpu.memref_slice %arg2[%mul3A_2, %dma_start3A_275] : memref<128x128xi32, #tpu.memory_space<hbm>> -> memref<4x128xi32, #tpu.memory_space<hbm>>
      %dma_start3A_277 = arith.constant 0 : i32
      %dma_start3A_278 = tpu.memref_slice %arg2[%mul3A_2, %dma_start3A_277] : memref<128x128xi32, #tpu.memory_space<hbm>> -> memref<4x128xi32, #tpu.memory_space<hbm>>
      tpu.enqueue_dma source(%dma_start3A_278 : memref<4x128xi32, #tpu.memory_space<hbm>>) target(%arg11 : memref<4x128xi32, #tpu.memory_space<vmem>>) target_semaphore(%run_scoped3A : memref<!tpu.dma_semaphore, #tpu.memory_space<semaphore_mem>>)
      %dma_wait3A_279 = arith.constant 0 : i32
      %dma_wait3A_280 = tpu.memref_slice %arg2[%mul3A_2, %dma_wait3A_279] : memref<128x128xi32, #tpu.memory_space<hbm>> -> memref<4x128xi32, #tpu.memory_space<hbm>>
      %dma_wait3A_281 = arith.constant 0 : i32
      %dma_wait3A_282 = tpu.memref_slice %arg2[%mul3A_2, %dma_wait3A_281] : memref<128x128xi32, #tpu.memory_space<hbm>> -> memref<4x128xi32, #tpu.memory_space<hbm>>
      tpu.wait_dma2 semaphore(%run_scoped3A : memref<!tpu.dma_semaphore, #tpu.memory_space<semaphore_mem>>) src(%dma_wait3A_282 : memref<4x128xi32, #tpu.memory_space<hbm>>) dst(%arg11 : memref<4x128xi32, #tpu.memory_space<vmem>>)
      tpu.yield
    }) : () -> ()
    "tpu.region"() ({
      %run_scoped3A = tpu.sem_alloc : memref<!tpu.dma_semaphore, #tpu.memory_space<semaphore_mem>>
      %dma_start3A_275 = arith.constant 0 : i32
      %dma_start3A_276 = tpu.memref_slice %arg3[%mul3A_2, %dma_start3A_275] : memref<128x128xi32, #tpu.memory_space<hbm>> -> memref<4x128xi32, #tpu.memory_space<hbm>>
      %dma_start3A_277 = arith.constant 0 : i32
      %dma_start3A_278 = tpu.memref_slice %arg3[%mul3A_2, %dma_start3A_277] : memref<128x128xi32, #tpu.memory_space<hbm>> -> memref<4x128xi32, #tpu.memory_space<hbm>>
      tpu.enqueue_dma source(%dma_start3A_278 : memref<4x128xi32, #tpu.memory_space<hbm>>) target(%arg12 : memref<4x128xi32, #tpu.memory_space<vmem>>) target_semaphore(%run_scoped3A : memref<!tpu.dma_semaphore, #tpu.memory_space<semaphore_mem>>)
      %dma_wait3A_279 = arith.constant 0 : i32
      %dma_wait3A_280 = tpu.memref_slice %arg3[%mul3A_2, %dma_wait3A_279] : memref<128x128xi32, #tpu.memory_space<hbm>> -> memref<4x128xi32, #tpu.memory_space<hbm>>
      %dma_wait3A_281 = arith.constant 0 : i32
      %dma_wait3A_282 = tpu.memref_slice %arg3[%mul3A_2, %dma_wait3A_281] : memref<128x128xi32, #tpu.memory_space<hbm>> -> memref<4x128xi32, #tpu.memory_space<hbm>>
      tpu.wait_dma2 semaphore(%run_scoped3A : memref<!tpu.dma_semaphore, #tpu.memory_space<semaphore_mem>>) src(%dma_wait3A_282 : memref<4x128xi32, #tpu.memory_space<hbm>>) dst(%arg12 : memref<4x128xi32, #tpu.memory_space<vmem>>)
      tpu.yield
    }) : () -> ()
    "tpu.region"() ({
      %run_scoped3A = tpu.sem_alloc : memref<!tpu.dma_semaphore, #tpu.memory_space<semaphore_mem>>
      %dma_start3A_275 = arith.constant 0 : i32
      %dma_start3A_276 = tpu.memref_slice %arg4[%mul3A_2, %dma_start3A_275] : memref<128x128xi32, #tpu.memory_space<hbm>> -> memref<4x128xi32, #tpu.memory_space<hbm>>
      %dma_start3A_277 = arith.constant 0 : i32
      %dma_start3A_278 = tpu.memref_slice %arg4[%mul3A_2, %dma_start3A_277] : memref<128x128xi32, #tpu.memory_space<hbm>> -> memref<4x128xi32, #tpu.memory_space<hbm>>
      tpu.enqueue_dma source(%dma_start3A_278 : memref<4x128xi32, #tpu.memory_space<hbm>>) target(%arg13 : memref<4x128xi32, #tpu.memory_space<vmem>>) target_semaphore(%run_scoped3A : memref<!tpu.dma_semaphore, #tpu.memory_space<semaphore_mem>>)
      %dma_wait3A_279 = arith.constant 0 : i32
      %dma_wait3A_280 = tpu.memref_slice %arg4[%mul3A_2, %dma_wait3A_279] : memref<128x128xi32, #tpu.memory_space<hbm>> -> memref<4x128xi32, #tpu.memory_space<hbm>>
      %dma_wait3A_281 = arith.constant 0 : i32
      %dma_wait3A_282 = tpu.memref_slice %arg4[%mul3A_2, %dma_wait3A_281] : memref<128x128xi32, #tpu.memory_space<hbm>> -> memref<4x128xi32, #tpu.memory_space<hbm>>
      tpu.wait_dma2 semaphore(%run_scoped3A : memref<!tpu.dma_semaphore, #tpu.memory_space<semaphore_mem>>) src(%dma_wait3A_282 : memref<4x128xi32, #tpu.memory_space<hbm>>) dst(%arg13 : memref<4x128xi32, #tpu.memory_space<vmem>>)
      tpu.yield
    }) : () -> ()
    %dma_start3A = arith.constant 0 : i32
    %dma_start3A_5 = arith.constant 0 : i32
    %dma_start3A_6 = tpu.memref_slice %arg11[%dma_start3A, %dma_start3A_5] : memref<4x128xi32, #tpu.memory_space<vmem>> -> memref<1x128xi32, #tpu.memory_space<vmem>>
    %dma_start3A_7 = tpu.memref_squeeze %dma_start3A_6 : memref<1x128xi32, #tpu.memory_space<vmem>> -> memref<128xi32, #tpu.memory_space<vmem>>
    %dma_start3A_8 = arith.constant 0 : i32
    %dma_start3A_9 = arith.constant 0 : i32
    %dma_start3A_10 = tpu.memref_slice %arg5[%dma_start3A_8, %dma_start3A_9] : memref<1000000x128xf32, #tpu.memory_space<hbm>> -> memref<1000000x128xf32, #tpu.memory_space<hbm>>
    tpu.enqueue_indirect_dma source(%dma_start3A_10 : memref<1000000x128xf32, #tpu.memory_space<hbm>>) target(%arg14 : memref<128x128xf32, #tpu.memory_space<vmem>>) offsets(%dma_start3A_7 : memref<128xi32, #tpu.memory_space<vmem>>) semaphore(%arg20 : memref<!tpu.dma_semaphore, #tpu.memory_space<semaphore_mem>>)
    %dma_start3A_11 = arith.constant 0 : i32
    %dma_start3A_12 = arith.constant 0 : i32
    %dma_start3A_13 = tpu.memref_slice %arg12[%dma_start3A_11, %dma_start3A_12] : memref<4x128xi32, #tpu.memory_space<vmem>> -> memref<1x128xi32, #tpu.memory_space<vmem>>
    %dma_start3A_14 = tpu.memref_squeeze %dma_start3A_13 : memref<1x128xi32, #tpu.memory_space<vmem>> -> memref<128xi32, #tpu.memory_space<vmem>>
    %dma_start3A_15 = arith.constant 0 : i32
    %dma_start3A_16 = arith.constant 0 : i32
    %dma_start3A_17 = tpu.memref_slice %arg6[%dma_start3A_15, %dma_start3A_16] : memref<100000x128xf32, #tpu.memory_space<hbm>> -> memref<100000x128xf32, #tpu.memory_space<hbm>>
    tpu.enqueue_indirect_dma source(%dma_start3A_17 : memref<100000x128xf32, #tpu.memory_space<hbm>>) target(%arg16 : memref<128x128xf32, #tpu.memory_space<vmem>>) offsets(%dma_start3A_14 : memref<128xi32, #tpu.memory_space<vmem>>) semaphore(%arg20 : memref<!tpu.dma_semaphore, #tpu.memory_space<semaphore_mem>>)
    %dma_start3A_18 = arith.constant 0 : i32
    %dma_start3A_19 = arith.constant 0 : i32
    %dma_start3A_20 = tpu.memref_slice %arg13[%dma_start3A_18, %dma_start3A_19] : memref<4x128xi32, #tpu.memory_space<vmem>> -> memref<1x128xi32, #tpu.memory_space<vmem>>
    %dma_start3A_21 = tpu.memref_squeeze %dma_start3A_20 : memref<1x128xi32, #tpu.memory_space<vmem>> -> memref<128xi32, #tpu.memory_space<vmem>>
    %dma_start3A_22 = arith.constant 0 : i32
    %dma_start3A_23 = arith.constant 0 : i32
    %dma_start3A_24 = tpu.memref_slice %arg7[%dma_start3A_22, %dma_start3A_23] : memref<12500x128xf32, #tpu.memory_space<hbm>> -> memref<12500x128xf32, #tpu.memory_space<hbm>>
    tpu.enqueue_indirect_dma source(%dma_start3A_24 : memref<12500x128xf32, #tpu.memory_space<hbm>>) target(%arg18 : memref<128x128xf32, #tpu.memory_space<vmem>>) offsets(%dma_start3A_21 : memref<128xi32, #tpu.memory_space<vmem>>) semaphore(%arg20 : memref<!tpu.dma_semaphore, #tpu.memory_space<semaphore_mem>>)
    %dma_start3A_25 = arith.constant 1 : i32
    %dma_start3A_26 = arith.constant 0 : i32
    %dma_start3A_27 = tpu.memref_slice %arg11[%dma_start3A_25, %dma_start3A_26] : memref<4x128xi32, #tpu.memory_space<vmem>> -> memref<1x128xi32, #tpu.memory_space<vmem>>
    %dma_start3A_28 = tpu.memref_squeeze %dma_start3A_27 : memref<1x128xi32, #tpu.memory_space<vmem>> -> memref<128xi32, #tpu.memory_space<vmem>>
    %dma_start3A_29 = arith.constant 0 : i32
    %dma_start3A_30 = arith.constant 0 : i32
    %dma_start3A_31 = tpu.memref_slice %arg5[%dma_start3A_29, %dma_start3A_30] : memref<1000000x128xf32, #tpu.memory_space<hbm>> -> memref<1000000x128xf32, #tpu.memory_space<hbm>>
    tpu.enqueue_indirect_dma source(%dma_start3A_31 : memref<1000000x128xf32, #tpu.memory_space<hbm>>) target(%arg15 : memref<128x128xf32, #tpu.memory_space<vmem>>) offsets(%dma_start3A_28 : memref<128xi32, #tpu.memory_space<vmem>>) semaphore(%arg21 : memref<!tpu.dma_semaphore, #tpu.memory_space<semaphore_mem>>)
    %dma_start3A_32 = arith.constant 1 : i32
    %dma_start3A_33 = arith.constant 0 : i32
    %dma_start3A_34 = tpu.memref_slice %arg12[%dma_start3A_32, %dma_start3A_33] : memref<4x128xi32, #tpu.memory_space<vmem>> -> memref<1x128xi32, #tpu.memory_space<vmem>>
    %dma_start3A_35 = tpu.memref_squeeze %dma_start3A_34 : memref<1x128xi32, #tpu.memory_space<vmem>> -> memref<128xi32, #tpu.memory_space<vmem>>
    %dma_start3A_36 = arith.constant 0 : i32
    %dma_start3A_37 = arith.constant 0 : i32
    %dma_start3A_38 = tpu.memref_slice %arg6[%dma_start3A_36, %dma_start3A_37] : memref<100000x128xf32, #tpu.memory_space<hbm>> -> memref<100000x128xf32, #tpu.memory_space<hbm>>
    tpu.enqueue_indirect_dma source(%dma_start3A_38 : memref<100000x128xf32, #tpu.memory_space<hbm>>) target(%arg17 : memref<128x128xf32, #tpu.memory_space<vmem>>) offsets(%dma_start3A_35 : memref<128xi32, #tpu.memory_space<vmem>>) semaphore(%arg21 : memref<!tpu.dma_semaphore, #tpu.memory_space<semaphore_mem>>)
    %dma_start3A_39 = arith.constant 1 : i32
    %dma_start3A_40 = arith.constant 0 : i32
    %dma_start3A_41 = tpu.memref_slice %arg13[%dma_start3A_39, %dma_start3A_40] : memref<4x128xi32, #tpu.memory_space<vmem>> -> memref<1x128xi32, #tpu.memory_space<vmem>>
    %dma_start3A_42 = tpu.memref_squeeze %dma_start3A_41 : memref<1x128xi32, #tpu.memory_space<vmem>> -> memref<128xi32, #tpu.memory_space<vmem>>
    %dma_start3A_43 = arith.constant 0 : i32
    %dma_start3A_44 = arith.constant 0 : i32
    %dma_start3A_45 = tpu.memref_slice %arg7[%dma_start3A_43, %dma_start3A_44] : memref<12500x128xf32, #tpu.memory_space<hbm>> -> memref<12500x128xf32, #tpu.memory_space<hbm>>
    tpu.enqueue_indirect_dma source(%dma_start3A_45 : memref<12500x128xf32, #tpu.memory_space<hbm>>) target(%arg19 : memref<128x128xf32, #tpu.memory_space<vmem>>) offsets(%dma_start3A_42 : memref<128xi32, #tpu.memory_space<vmem>>) semaphore(%arg21 : memref<!tpu.dma_semaphore, #tpu.memory_space<semaphore_mem>>)
    %dma_wait3A = arith.constant 0 : i32
    %dma_wait3A_46 = arith.constant 0 : i32
    %dma_wait3A_47 = tpu.memref_slice %arg11[%dma_wait3A, %dma_wait3A_46] : memref<4x128xi32, #tpu.memory_space<vmem>> -> memref<1x128xi32, #tpu.memory_space<vmem>>
    %dma_wait3A_48 = tpu.memref_squeeze %dma_wait3A_47 : memref<1x128xi32, #tpu.memory_space<vmem>> -> memref<128xi32, #tpu.memory_space<vmem>>
    %dma_wait3A_49 = arith.constant 0 : i32
    %dma_wait3A_50 = arith.constant 0 : i32
    %dma_wait3A_51 = tpu.memref_slice %arg5[%dma_wait3A_49, %dma_wait3A_50] : memref<1000000x128xf32, #tpu.memory_space<hbm>> -> memref<1000000x128xf32, #tpu.memory_space<hbm>>
    tpu.wait_indirect_dma semaphore(%arg20 : memref<!tpu.dma_semaphore, #tpu.memory_space<semaphore_mem>>) src(%dma_wait3A_51 : memref<1000000x128xf32, #tpu.memory_space<hbm>>) dst(%arg14 : memref<128x128xf32, #tpu.memory_space<vmem>>)
    %dma_wait3A_52 = arith.constant 0 : i32
    %dma_wait3A_53 = arith.constant 0 : i32
    %dma_wait3A_54 = tpu.memref_slice %arg12[%dma_wait3A_52, %dma_wait3A_53] : memref<4x128xi32, #tpu.memory_space<vmem>> -> memref<1x128xi32, #tpu.memory_space<vmem>>
    %dma_wait3A_55 = tpu.memref_squeeze %dma_wait3A_54 : memref<1x128xi32, #tpu.memory_space<vmem>> -> memref<128xi32, #tpu.memory_space<vmem>>
    %dma_wait3A_56 = arith.constant 0 : i32
    %dma_wait3A_57 = arith.constant 0 : i32
    %dma_wait3A_58 = tpu.memref_slice %arg6[%dma_wait3A_56, %dma_wait3A_57] : memref<100000x128xf32, #tpu.memory_space<hbm>> -> memref<100000x128xf32, #tpu.memory_space<hbm>>
    tpu.wait_indirect_dma semaphore(%arg20 : memref<!tpu.dma_semaphore, #tpu.memory_space<semaphore_mem>>) src(%dma_wait3A_58 : memref<100000x128xf32, #tpu.memory_space<hbm>>) dst(%arg16 : memref<128x128xf32, #tpu.memory_space<vmem>>)
    %dma_wait3A_59 = arith.constant 0 : i32
    %dma_wait3A_60 = arith.constant 0 : i32
    %dma_wait3A_61 = tpu.memref_slice %arg13[%dma_wait3A_59, %dma_wait3A_60] : memref<4x128xi32, #tpu.memory_space<vmem>> -> memref<1x128xi32, #tpu.memory_space<vmem>>
    %dma_wait3A_62 = tpu.memref_squeeze %dma_wait3A_61 : memref<1x128xi32, #tpu.memory_space<vmem>> -> memref<128xi32, #tpu.memory_space<vmem>>
    %dma_wait3A_63 = arith.constant 0 : i32
    %dma_wait3A_64 = arith.constant 0 : i32
    %dma_wait3A_65 = tpu.memref_slice %arg7[%dma_wait3A_63, %dma_wait3A_64] : memref<12500x128xf32, #tpu.memory_space<hbm>> -> memref<12500x128xf32, #tpu.memory_space<hbm>>
    tpu.wait_indirect_dma semaphore(%arg20 : memref<!tpu.dma_semaphore, #tpu.memory_space<semaphore_mem>>) src(%dma_wait3A_65 : memref<12500x128xf32, #tpu.memory_space<hbm>>) dst(%arg18 : memref<128x128xf32, #tpu.memory_space<vmem>>)
    %add3A_66 = arith.constant 0 : i32
    %add3A_67 = arith.addi %mul3A_4, %add3A_66 : i32
    %dma_start3A_68 = arith.constant 0 : i32
    %dma_start3A_69 = tpu.memref_slice %arg8[%add3A_67, %dma_start3A_68] : memref<16384x128xf32, #tpu.memory_space<hbm>> -> memref<128x128xf32, #tpu.memory_space<hbm>>
    %dma_start3A_70 = arith.constant 0 : i32
    %dma_start3A_71 = tpu.memref_slice %arg8[%add3A_67, %dma_start3A_70] : memref<16384x128xf32, #tpu.memory_space<hbm>> -> memref<128x128xf32, #tpu.memory_space<hbm>>
    tpu.enqueue_dma source(%arg14 : memref<128x128xf32, #tpu.memory_space<vmem>>) target(%dma_start3A_71 : memref<128x128xf32, #tpu.memory_space<hbm>>) target_semaphore(%arg22 : memref<!tpu.dma_semaphore, #tpu.memory_space<semaphore_mem>>)
    %dma_start3A_72 = arith.constant 0 : i32
    %dma_start3A_73 = tpu.memref_slice %arg9[%add3A_67, %dma_start3A_72] : memref<16384x128xf32, #tpu.memory_space<hbm>> -> memref<128x128xf32, #tpu.memory_space<hbm>>
    %dma_start3A_74 = arith.constant 0 : i32
    %dma_start3A_75 = tpu.memref_slice %arg9[%add3A_67, %dma_start3A_74] : memref<16384x128xf32, #tpu.memory_space<hbm>> -> memref<128x128xf32, #tpu.memory_space<hbm>>
    tpu.enqueue_dma source(%arg16 : memref<128x128xf32, #tpu.memory_space<vmem>>) target(%dma_start3A_75 : memref<128x128xf32, #tpu.memory_space<hbm>>) target_semaphore(%arg22 : memref<!tpu.dma_semaphore, #tpu.memory_space<semaphore_mem>>)
    %dma_start3A_76 = arith.constant 0 : i32
    %dma_start3A_77 = tpu.memref_slice %arg10[%add3A_67, %dma_start3A_76] : memref<16384x128xf32, #tpu.memory_space<hbm>> -> memref<128x128xf32, #tpu.memory_space<hbm>>
    %dma_start3A_78 = arith.constant 0 : i32
    %dma_start3A_79 = tpu.memref_slice %arg10[%add3A_67, %dma_start3A_78] : memref<16384x128xf32, #tpu.memory_space<hbm>> -> memref<128x128xf32, #tpu.memory_space<hbm>>
    tpu.enqueue_dma source(%arg18 : memref<128x128xf32, #tpu.memory_space<vmem>>) target(%dma_start3A_79 : memref<128x128xf32, #tpu.memory_space<hbm>>) target_semaphore(%arg22 : memref<!tpu.dma_semaphore, #tpu.memory_space<semaphore_mem>>)
    %dma_wait3A_80 = arith.constant 0 : i32
    %dma_wait3A_81 = tpu.memref_slice %arg8[%add3A_67, %dma_wait3A_80] : memref<16384x128xf32, #tpu.memory_space<hbm>> -> memref<128x128xf32, #tpu.memory_space<hbm>>
    %dma_wait3A_82 = arith.constant 0 : i32
    %dma_wait3A_83 = tpu.memref_slice %arg8[%add3A_67, %dma_wait3A_82] : memref<16384x128xf32, #tpu.memory_space<hbm>> -> memref<128x128xf32, #tpu.memory_space<hbm>>
    tpu.wait_dma2 semaphore(%arg22 : memref<!tpu.dma_semaphore, #tpu.memory_space<semaphore_mem>>) src(%arg14 : memref<128x128xf32, #tpu.memory_space<vmem>>) dst(%dma_wait3A_83 : memref<128x128xf32, #tpu.memory_space<hbm>>)
    %dma_wait3A_84 = arith.constant 0 : i32
    %dma_wait3A_85 = tpu.memref_slice %arg9[%add3A_67, %dma_wait3A_84] : memref<16384x128xf32, #tpu.memory_space<hbm>> -> memref<128x128xf32, #tpu.memory_space<hbm>>
    %dma_wait3A_86 = arith.constant 0 : i32
    %dma_wait3A_87 = tpu.memref_slice %arg9[%add3A_67, %dma_wait3A_86] : memref<16384x128xf32, #tpu.memory_space<hbm>> -> memref<128x128xf32, #tpu.memory_space<hbm>>
    tpu.wait_dma2 semaphore(%arg22 : memref<!tpu.dma_semaphore, #tpu.memory_space<semaphore_mem>>) src(%arg16 : memref<128x128xf32, #tpu.memory_space<vmem>>) dst(%dma_wait3A_87 : memref<128x128xf32, #tpu.memory_space<hbm>>)
    %dma_wait3A_88 = arith.constant 0 : i32
    %dma_wait3A_89 = tpu.memref_slice %arg10[%add3A_67, %dma_wait3A_88] : memref<16384x128xf32, #tpu.memory_space<hbm>> -> memref<128x128xf32, #tpu.memory_space<hbm>>
    %dma_wait3A_90 = arith.constant 0 : i32
    %dma_wait3A_91 = tpu.memref_slice %arg10[%add3A_67, %dma_wait3A_90] : memref<16384x128xf32, #tpu.memory_space<hbm>> -> memref<128x128xf32, #tpu.memory_space<hbm>>
    tpu.wait_dma2 semaphore(%arg22 : memref<!tpu.dma_semaphore, #tpu.memory_space<semaphore_mem>>) src(%arg18 : memref<128x128xf32, #tpu.memory_space<vmem>>) dst(%dma_wait3A_91 : memref<128x128xf32, #tpu.memory_space<hbm>>)
    %dma_start3A_92 = arith.constant 2 : i32
    %dma_start3A_93 = arith.constant 0 : i32
    %dma_start3A_94 = tpu.memref_slice %arg11[%dma_start3A_92, %dma_start3A_93] : memref<4x128xi32, #tpu.memory_space<vmem>> -> memref<1x128xi32, #tpu.memory_space<vmem>>
    %dma_start3A_95 = tpu.memref_squeeze %dma_start3A_94 : memref<1x128xi32, #tpu.memory_space<vmem>> -> memref<128xi32, #tpu.memory_space<vmem>>
    %dma_start3A_96 = arith.constant 0 : i32
    %dma_start3A_97 = arith.constant 0 : i32
    %dma_start3A_98 = tpu.memref_slice %arg5[%dma_start3A_96, %dma_start3A_97] : memref<1000000x128xf32, #tpu.memory_space<hbm>> -> memref<1000000x128xf32, #tpu.memory_space<hbm>>
    tpu.enqueue_indirect_dma source(%dma_start3A_98 : memref<1000000x128xf32, #tpu.memory_space<hbm>>) target(%arg14 : memref<128x128xf32, #tpu.memory_space<vmem>>) offsets(%dma_start3A_95 : memref<128xi32, #tpu.memory_space<vmem>>) semaphore(%arg20 : memref<!tpu.dma_semaphore, #tpu.memory_space<semaphore_mem>>)
    %dma_start3A_99 = arith.constant 2 : i32
    %dma_start3A_100 = arith.constant 0 : i32
    %dma_start3A_101 = tpu.memref_slice %arg12[%dma_start3A_99, %dma_start3A_100] : memref<4x128xi32, #tpu.memory_space<vmem>> -> memref<1x128xi32, #tpu.memory_space<vmem>>
    %dma_start3A_102 = tpu.memref_squeeze %dma_start3A_101 : memref<1x128xi32, #tpu.memory_space<vmem>> -> memref<128xi32, #tpu.memory_space<vmem>>
    %dma_start3A_103 = arith.constant 0 : i32
    %dma_start3A_104 = arith.constant 0 : i32
    %dma_start3A_105 = tpu.memref_slice %arg6[%dma_start3A_103, %dma_start3A_104] : memref<100000x128xf32, #tpu.memory_space<hbm>> -> memref<100000x128xf32, #tpu.memory_space<hbm>>
    tpu.enqueue_indirect_dma source(%dma_start3A_105 : memref<100000x128xf32, #tpu.memory_space<hbm>>) target(%arg16 : memref<128x128xf32, #tpu.memory_space<vmem>>) offsets(%dma_start3A_102 : memref<128xi32, #tpu.memory_space<vmem>>) semaphore(%arg20 : memref<!tpu.dma_semaphore, #tpu.memory_space<semaphore_mem>>)
    %dma_start3A_106 = arith.constant 2 : i32
    %dma_start3A_107 = arith.constant 0 : i32
    %dma_start3A_108 = tpu.memref_slice %arg13[%dma_start3A_106, %dma_start3A_107] : memref<4x128xi32, #tpu.memory_space<vmem>> -> memref<1x128xi32, #tpu.memory_space<vmem>>
    %dma_start3A_109 = tpu.memref_squeeze %dma_start3A_108 : memref<1x128xi32, #tpu.memory_space<vmem>> -> memref<128xi32, #tpu.memory_space<vmem>>
    %dma_start3A_110 = arith.constant 0 : i32
    %dma_start3A_111 = arith.constant 0 : i32
    %dma_start3A_112 = tpu.memref_slice %arg7[%dma_start3A_110, %dma_start3A_111] : memref<12500x128xf32, #tpu.memory_space<hbm>> -> memref<12500x128xf32, #tpu.memory_space<hbm>>
    tpu.enqueue_indirect_dma source(%dma_start3A_112 : memref<12500x128xf32, #tpu.memory_space<hbm>>) target(%arg18 : memref<128x128xf32, #tpu.memory_space<vmem>>) offsets(%dma_start3A_109 : memref<128xi32, #tpu.memory_space<vmem>>) semaphore(%arg20 : memref<!tpu.dma_semaphore, #tpu.memory_space<semaphore_mem>>)
    %dma_wait3A_113 = arith.constant 1 : i32
    %dma_wait3A_114 = arith.constant 0 : i32
    %dma_wait3A_115 = tpu.memref_slice %arg11[%dma_wait3A_113, %dma_wait3A_114] : memref<4x128xi32, #tpu.memory_space<vmem>> -> memref<1x128xi32, #tpu.memory_space<vmem>>
    %dma_wait3A_116 = tpu.memref_squeeze %dma_wait3A_115 : memref<1x128xi32, #tpu.memory_space<vmem>> -> memref<128xi32, #tpu.memory_space<vmem>>
    %dma_wait3A_117 = arith.constant 0 : i32
    %dma_wait3A_118 = arith.constant 0 : i32
    %dma_wait3A_119 = tpu.memref_slice %arg5[%dma_wait3A_117, %dma_wait3A_118] : memref<1000000x128xf32, #tpu.memory_space<hbm>> -> memref<1000000x128xf32, #tpu.memory_space<hbm>>
    tpu.wait_indirect_dma semaphore(%arg21 : memref<!tpu.dma_semaphore, #tpu.memory_space<semaphore_mem>>) src(%dma_wait3A_119 : memref<1000000x128xf32, #tpu.memory_space<hbm>>) dst(%arg15 : memref<128x128xf32, #tpu.memory_space<vmem>>)
    %dma_wait3A_120 = arith.constant 1 : i32
    %dma_wait3A_121 = arith.constant 0 : i32
    %dma_wait3A_122 = tpu.memref_slice %arg12[%dma_wait3A_120, %dma_wait3A_121] : memref<4x128xi32, #tpu.memory_space<vmem>> -> memref<1x128xi32, #tpu.memory_space<vmem>>
    %dma_wait3A_123 = tpu.memref_squeeze %dma_wait3A_122 : memref<1x128xi32, #tpu.memory_space<vmem>> -> memref<128xi32, #tpu.memory_space<vmem>>
    %dma_wait3A_124 = arith.constant 0 : i32
    %dma_wait3A_125 = arith.constant 0 : i32
    %dma_wait3A_126 = tpu.memref_slice %arg6[%dma_wait3A_124, %dma_wait3A_125] : memref<100000x128xf32, #tpu.memory_space<hbm>> -> memref<100000x128xf32, #tpu.memory_space<hbm>>
    tpu.wait_indirect_dma semaphore(%arg21 : memref<!tpu.dma_semaphore, #tpu.memory_space<semaphore_mem>>) src(%dma_wait3A_126 : memref<100000x128xf32, #tpu.memory_space<hbm>>) dst(%arg17 : memref<128x128xf32, #tpu.memory_space<vmem>>)
    %dma_wait3A_127 = arith.constant 1 : i32
    %dma_wait3A_128 = arith.constant 0 : i32
    %dma_wait3A_129 = tpu.memref_slice %arg13[%dma_wait3A_127, %dma_wait3A_128] : memref<4x128xi32, #tpu.memory_space<vmem>> -> memref<1x128xi32, #tpu.memory_space<vmem>>
    %dma_wait3A_130 = tpu.memref_squeeze %dma_wait3A_129 : memref<1x128xi32, #tpu.memory_space<vmem>> -> memref<128xi32, #tpu.memory_space<vmem>>
    %dma_wait3A_131 = arith.constant 0 : i32
    %dma_wait3A_132 = arith.constant 0 : i32
    %dma_wait3A_133 = tpu.memref_slice %arg7[%dma_wait3A_131, %dma_wait3A_132] : memref<12500x128xf32, #tpu.memory_space<hbm>> -> memref<12500x128xf32, #tpu.memory_space<hbm>>
    tpu.wait_indirect_dma semaphore(%arg21 : memref<!tpu.dma_semaphore, #tpu.memory_space<semaphore_mem>>) src(%dma_wait3A_133 : memref<12500x128xf32, #tpu.memory_space<hbm>>) dst(%arg19 : memref<128x128xf32, #tpu.memory_space<vmem>>)
    %add3A_134 = arith.constant 128 : i32
    %add3A_135 = arith.addi %mul3A_4, %add3A_134 : i32
    %dma_start3A_136 = arith.constant 0 : i32
    %dma_start3A_137 = tpu.memref_slice %arg8[%add3A_135, %dma_start3A_136] : memref<16384x128xf32, #tpu.memory_space<hbm>> -> memref<128x128xf32, #tpu.memory_space<hbm>>
    %dma_start3A_138 = arith.constant 0 : i32
    %dma_start3A_139 = tpu.memref_slice %arg8[%add3A_135, %dma_start3A_138] : memref<16384x128xf32, #tpu.memory_space<hbm>> -> memref<128x128xf32, #tpu.memory_space<hbm>>
    tpu.enqueue_dma source(%arg15 : memref<128x128xf32, #tpu.memory_space<vmem>>) target(%dma_start3A_139 : memref<128x128xf32, #tpu.memory_space<hbm>>) target_semaphore(%arg23 : memref<!tpu.dma_semaphore, #tpu.memory_space<semaphore_mem>>)
    %dma_start3A_140 = arith.constant 0 : i32
    %dma_start3A_141 = tpu.memref_slice %arg9[%add3A_135, %dma_start3A_140] : memref<16384x128xf32, #tpu.memory_space<hbm>> -> memref<128x128xf32, #tpu.memory_space<hbm>>
    %dma_start3A_142 = arith.constant 0 : i32
    %dma_start3A_143 = tpu.memref_slice %arg9[%add3A_135, %dma_start3A_142] : memref<16384x128xf32, #tpu.memory_space<hbm>> -> memref<128x128xf32, #tpu.memory_space<hbm>>
    tpu.enqueue_dma source(%arg17 : memref<128x128xf32, #tpu.memory_space<vmem>>) target(%dma_start3A_143 : memref<128x128xf32, #tpu.memory_space<hbm>>) target_semaphore(%arg23 : memref<!tpu.dma_semaphore, #tpu.memory_space<semaphore_mem>>)
    %dma_start3A_144 = arith.constant 0 : i32
    %dma_start3A_145 = tpu.memref_slice %arg10[%add3A_135, %dma_start3A_144] : memref<16384x128xf32, #tpu.memory_space<hbm>> -> memref<128x128xf32, #tpu.memory_space<hbm>>
    %dma_start3A_146 = arith.constant 0 : i32
    %dma_start3A_147 = tpu.memref_slice %arg10[%add3A_135, %dma_start3A_146] : memref<16384x128xf32, #tpu.memory_space<hbm>> -> memref<128x128xf32, #tpu.memory_space<hbm>>
    tpu.enqueue_dma source(%arg19 : memref<128x128xf32, #tpu.memory_space<vmem>>) target(%dma_start3A_147 : memref<128x128xf32, #tpu.memory_space<hbm>>) target_semaphore(%arg23 : memref<!tpu.dma_semaphore, #tpu.memory_space<semaphore_mem>>)
    %dma_wait3A_148 = arith.constant 0 : i32
    %dma_wait3A_149 = tpu.memref_slice %arg8[%add3A_135, %dma_wait3A_148] : memref<16384x128xf32, #tpu.memory_space<hbm>> -> memref<128x128xf32, #tpu.memory_space<hbm>>
    %dma_wait3A_150 = arith.constant 0 : i32
    %dma_wait3A_151 = tpu.memref_slice %arg8[%add3A_135, %dma_wait3A_150] : memref<16384x128xf32, #tpu.memory_space<hbm>> -> memref<128x128xf32, #tpu.memory_space<hbm>>
    tpu.wait_dma2 semaphore(%arg23 : memref<!tpu.dma_semaphore, #tpu.memory_space<semaphore_mem>>) src(%arg15 : memref<128x128xf32, #tpu.memory_space<vmem>>) dst(%dma_wait3A_151 : memref<128x128xf32, #tpu.memory_space<hbm>>)
    %dma_wait3A_152 = arith.constant 0 : i32
    %dma_wait3A_153 = tpu.memref_slice %arg9[%add3A_135, %dma_wait3A_152] : memref<16384x128xf32, #tpu.memory_space<hbm>> -> memref<128x128xf32, #tpu.memory_space<hbm>>
    %dma_wait3A_154 = arith.constant 0 : i32
    %dma_wait3A_155 = tpu.memref_slice %arg9[%add3A_135, %dma_wait3A_154] : memref<16384x128xf32, #tpu.memory_space<hbm>> -> memref<128x128xf32, #tpu.memory_space<hbm>>
    tpu.wait_dma2 semaphore(%arg23 : memref<!tpu.dma_semaphore, #tpu.memory_space<semaphore_mem>>) src(%arg17 : memref<128x128xf32, #tpu.memory_space<vmem>>) dst(%dma_wait3A_155 : memref<128x128xf32, #tpu.memory_space<hbm>>)
    %dma_wait3A_156 = arith.constant 0 : i32
    %dma_wait3A_157 = tpu.memref_slice %arg10[%add3A_135, %dma_wait3A_156] : memref<16384x128xf32, #tpu.memory_space<hbm>> -> memref<128x128xf32, #tpu.memory_space<hbm>>
    %dma_wait3A_158 = arith.constant 0 : i32
    %dma_wait3A_159 = tpu.memref_slice %arg10[%add3A_135, %dma_wait3A_158] : memref<16384x128xf32, #tpu.memory_space<hbm>> -> memref<128x128xf32, #tpu.memory_space<hbm>>
    tpu.wait_dma2 semaphore(%arg23 : memref<!tpu.dma_semaphore, #tpu.memory_space<semaphore_mem>>) src(%arg19 : memref<128x128xf32, #tpu.memory_space<vmem>>) dst(%dma_wait3A_159 : memref<128x128xf32, #tpu.memory_space<hbm>>)
    %dma_start3A_160 = arith.constant 3 : i32
    %dma_start3A_161 = arith.constant 0 : i32
    %dma_start3A_162 = tpu.memref_slice %arg11[%dma_start3A_160, %dma_start3A_161] : memref<4x128xi32, #tpu.memory_space<vmem>> -> memref<1x128xi32, #tpu.memory_space<vmem>>
    %dma_start3A_163 = tpu.memref_squeeze %dma_start3A_162 : memref<1x128xi32, #tpu.memory_space<vmem>> -> memref<128xi32, #tpu.memory_space<vmem>>
    %dma_start3A_164 = arith.constant 0 : i32
    %dma_start3A_165 = arith.constant 0 : i32
    %dma_start3A_166 = tpu.memref_slice %arg5[%dma_start3A_164, %dma_start3A_165] : memref<1000000x128xf32, #tpu.memory_space<hbm>> -> memref<1000000x128xf32, #tpu.memory_space<hbm>>
    tpu.enqueue_indirect_dma source(%dma_start3A_166 : memref<1000000x128xf32, #tpu.memory_space<hbm>>) target(%arg15 : memref<128x128xf32, #tpu.memory_space<vmem>>) offsets(%dma_start3A_163 : memref<128xi32, #tpu.memory_space<vmem>>) semaphore(%arg21 : memref<!tpu.dma_semaphore, #tpu.memory_space<semaphore_mem>>)
    %dma_start3A_167 = arith.constant 3 : i32
    %dma_start3A_168 = arith.constant 0 : i32
    %dma_start3A_169 = tpu.memref_slice %arg12[%dma_start3A_167, %dma_start3A_168] : memref<4x128xi32, #tpu.memory_space<vmem>> -> memref<1x128xi32, #tpu.memory_space<vmem>>
    %dma_start3A_170 = tpu.memref_squeeze %dma_start3A_169 : memref<1x128xi32, #tpu.memory_space<vmem>> -> memref<128xi32, #tpu.memory_space<vmem>>
    %dma_start3A_171 = arith.constant 0 : i32
    %dma_start3A_172 = arith.constant 0 : i32
    %dma_start3A_173 = tpu.memref_slice %arg6[%dma_start3A_171, %dma_start3A_172] : memref<100000x128xf32, #tpu.memory_space<hbm>> -> memref<100000x128xf32, #tpu.memory_space<hbm>>
    tpu.enqueue_indirect_dma source(%dma_start3A_173 : memref<100000x128xf32, #tpu.memory_space<hbm>>) target(%arg17 : memref<128x128xf32, #tpu.memory_space<vmem>>) offsets(%dma_start3A_170 : memref<128xi32, #tpu.memory_space<vmem>>) semaphore(%arg21 : memref<!tpu.dma_semaphore, #tpu.memory_space<semaphore_mem>>)
    %dma_start3A_174 = arith.constant 3 : i32
    %dma_start3A_175 = arith.constant 0 : i32
    %dma_start3A_176 = tpu.memref_slice %arg13[%dma_start3A_174, %dma_start3A_175] : memref<4x128xi32, #tpu.memory_space<vmem>> -> memref<1x128xi32, #tpu.memory_space<vmem>>
    %dma_start3A_177 = tpu.memref_squeeze %dma_start3A_176 : memref<1x128xi32, #tpu.memory_space<vmem>> -> memref<128xi32, #tpu.memory_space<vmem>>
    %dma_start3A_178 = arith.constant 0 : i32
    %dma_start3A_179 = arith.constant 0 : i32
    %dma_start3A_180 = tpu.memref_slice %arg7[%dma_start3A_178, %dma_start3A_179] : memref<12500x128xf32, #tpu.memory_space<hbm>> -> memref<12500x128xf32, #tpu.memory_space<hbm>>
    tpu.enqueue_indirect_dma source(%dma_start3A_180 : memref<12500x128xf32, #tpu.memory_space<hbm>>) target(%arg19 : memref<128x128xf32, #tpu.memory_space<vmem>>) offsets(%dma_start3A_177 : memref<128xi32, #tpu.memory_space<vmem>>) semaphore(%arg21 : memref<!tpu.dma_semaphore, #tpu.memory_space<semaphore_mem>>)
    %dma_wait3A_181 = arith.constant 2 : i32
    %dma_wait3A_182 = arith.constant 0 : i32
    %dma_wait3A_183 = tpu.memref_slice %arg11[%dma_wait3A_181, %dma_wait3A_182] : memref<4x128xi32, #tpu.memory_space<vmem>> -> memref<1x128xi32, #tpu.memory_space<vmem>>
    %dma_wait3A_184 = tpu.memref_squeeze %dma_wait3A_183 : memref<1x128xi32, #tpu.memory_space<vmem>> -> memref<128xi32, #tpu.memory_space<vmem>>
    %dma_wait3A_185 = arith.constant 0 : i32
    %dma_wait3A_186 = arith.constant 0 : i32
    %dma_wait3A_187 = tpu.memref_slice %arg5[%dma_wait3A_185, %dma_wait3A_186] : memref<1000000x128xf32, #tpu.memory_space<hbm>> -> memref<1000000x128xf32, #tpu.memory_space<hbm>>
    tpu.wait_indirect_dma semaphore(%arg20 : memref<!tpu.dma_semaphore, #tpu.memory_space<semaphore_mem>>) src(%dma_wait3A_187 : memref<1000000x128xf32, #tpu.memory_space<hbm>>) dst(%arg14 : memref<128x128xf32, #tpu.memory_space<vmem>>)
    %dma_wait3A_188 = arith.constant 2 : i32
    %dma_wait3A_189 = arith.constant 0 : i32
    %dma_wait3A_190 = tpu.memref_slice %arg12[%dma_wait3A_188, %dma_wait3A_189] : memref<4x128xi32, #tpu.memory_space<vmem>> -> memref<1x128xi32, #tpu.memory_space<vmem>>
    %dma_wait3A_191 = tpu.memref_squeeze %dma_wait3A_190 : memref<1x128xi32, #tpu.memory_space<vmem>> -> memref<128xi32, #tpu.memory_space<vmem>>
    %dma_wait3A_192 = arith.constant 0 : i32
    %dma_wait3A_193 = arith.constant 0 : i32
    %dma_wait3A_194 = tpu.memref_slice %arg6[%dma_wait3A_192, %dma_wait3A_193] : memref<100000x128xf32, #tpu.memory_space<hbm>> -> memref<100000x128xf32, #tpu.memory_space<hbm>>
    tpu.wait_indirect_dma semaphore(%arg20 : memref<!tpu.dma_semaphore, #tpu.memory_space<semaphore_mem>>) src(%dma_wait3A_194 : memref<100000x128xf32, #tpu.memory_space<hbm>>) dst(%arg16 : memref<128x128xf32, #tpu.memory_space<vmem>>)
    %dma_wait3A_195 = arith.constant 2 : i32
    %dma_wait3A_196 = arith.constant 0 : i32
    %dma_wait3A_197 = tpu.memref_slice %arg13[%dma_wait3A_195, %dma_wait3A_196] : memref<4x128xi32, #tpu.memory_space<vmem>> -> memref<1x128xi32, #tpu.memory_space<vmem>>
    %dma_wait3A_198 = tpu.memref_squeeze %dma_wait3A_197 : memref<1x128xi32, #tpu.memory_space<vmem>> -> memref<128xi32, #tpu.memory_space<vmem>>
    %dma_wait3A_199 = arith.constant 0 : i32
    %dma_wait3A_200 = arith.constant 0 : i32
    %dma_wait3A_201 = tpu.memref_slice %arg7[%dma_wait3A_199, %dma_wait3A_200] : memref<12500x128xf32, #tpu.memory_space<hbm>> -> memref<12500x128xf32, #tpu.memory_space<hbm>>
    tpu.wait_indirect_dma semaphore(%arg20 : memref<!tpu.dma_semaphore, #tpu.memory_space<semaphore_mem>>) src(%dma_wait3A_201 : memref<12500x128xf32, #tpu.memory_space<hbm>>) dst(%arg18 : memref<128x128xf32, #tpu.memory_space<vmem>>)
    %add3A_202 = arith.constant 256 : i32
    %add3A_203 = arith.addi %mul3A_4, %add3A_202 : i32
    %dma_start3A_204 = arith.constant 0 : i32
    %dma_start3A_205 = tpu.memref_slice %arg8[%add3A_203, %dma_start3A_204] : memref<16384x128xf32, #tpu.memory_space<hbm>> -> memref<128x128xf32, #tpu.memory_space<hbm>>
    %dma_start3A_206 = arith.constant 0 : i32
    %dma_start3A_207 = tpu.memref_slice %arg8[%add3A_203, %dma_start3A_206] : memref<16384x128xf32, #tpu.memory_space<hbm>> -> memref<128x128xf32, #tpu.memory_space<hbm>>
    tpu.enqueue_dma source(%arg14 : memref<128x128xf32, #tpu.memory_space<vmem>>) target(%dma_start3A_207 : memref<128x128xf32, #tpu.memory_space<hbm>>) target_semaphore(%arg22 : memref<!tpu.dma_semaphore, #tpu.memory_space<semaphore_mem>>)
    %dma_start3A_208 = arith.constant 0 : i32
    %dma_start3A_209 = tpu.memref_slice %arg9[%add3A_203, %dma_start3A_208] : memref<16384x128xf32, #tpu.memory_space<hbm>> -> memref<128x128xf32, #tpu.memory_space<hbm>>
    %dma_start3A_210 = arith.constant 0 : i32
    %dma_start3A_211 = tpu.memref_slice %arg9[%add3A_203, %dma_start3A_210] : memref<16384x128xf32, #tpu.memory_space<hbm>> -> memref<128x128xf32, #tpu.memory_space<hbm>>
    tpu.enqueue_dma source(%arg16 : memref<128x128xf32, #tpu.memory_space<vmem>>) target(%dma_start3A_211 : memref<128x128xf32, #tpu.memory_space<hbm>>) target_semaphore(%arg22 : memref<!tpu.dma_semaphore, #tpu.memory_space<semaphore_mem>>)
    %dma_start3A_212 = arith.constant 0 : i32
    %dma_start3A_213 = tpu.memref_slice %arg10[%add3A_203, %dma_start3A_212] : memref<16384x128xf32, #tpu.memory_space<hbm>> -> memref<128x128xf32, #tpu.memory_space<hbm>>
    %dma_start3A_214 = arith.constant 0 : i32
    %dma_start3A_215 = tpu.memref_slice %arg10[%add3A_203, %dma_start3A_214] : memref<16384x128xf32, #tpu.memory_space<hbm>> -> memref<128x128xf32, #tpu.memory_space<hbm>>
    tpu.enqueue_dma source(%arg18 : memref<128x128xf32, #tpu.memory_space<vmem>>) target(%dma_start3A_215 : memref<128x128xf32, #tpu.memory_space<hbm>>) target_semaphore(%arg22 : memref<!tpu.dma_semaphore, #tpu.memory_space<semaphore_mem>>)
    %dma_wait3A_216 = arith.constant 3 : i32
    %dma_wait3A_217 = arith.constant 0 : i32
    %dma_wait3A_218 = tpu.memref_slice %arg11[%dma_wait3A_216, %dma_wait3A_217] : memref<4x128xi32, #tpu.memory_space<vmem>> -> memref<1x128xi32, #tpu.memory_space<vmem>>
    %dma_wait3A_219 = tpu.memref_squeeze %dma_wait3A_218 : memref<1x128xi32, #tpu.memory_space<vmem>> -> memref<128xi32, #tpu.memory_space<vmem>>
    %dma_wait3A_220 = arith.constant 0 : i32
    %dma_wait3A_221 = arith.constant 0 : i32
    %dma_wait3A_222 = tpu.memref_slice %arg5[%dma_wait3A_220, %dma_wait3A_221] : memref<1000000x128xf32, #tpu.memory_space<hbm>> -> memref<1000000x128xf32, #tpu.memory_space<hbm>>
    tpu.wait_indirect_dma semaphore(%arg21 : memref<!tpu.dma_semaphore, #tpu.memory_space<semaphore_mem>>) src(%dma_wait3A_222 : memref<1000000x128xf32, #tpu.memory_space<hbm>>) dst(%arg15 : memref<128x128xf32, #tpu.memory_space<vmem>>)
    %dma_wait3A_223 = arith.constant 3 : i32
    %dma_wait3A_224 = arith.constant 0 : i32
    %dma_wait3A_225 = tpu.memref_slice %arg12[%dma_wait3A_223, %dma_wait3A_224] : memref<4x128xi32, #tpu.memory_space<vmem>> -> memref<1x128xi32, #tpu.memory_space<vmem>>
    %dma_wait3A_226 = tpu.memref_squeeze %dma_wait3A_225 : memref<1x128xi32, #tpu.memory_space<vmem>> -> memref<128xi32, #tpu.memory_space<vmem>>
    %dma_wait3A_227 = arith.constant 0 : i32
    %dma_wait3A_228 = arith.constant 0 : i32
    %dma_wait3A_229 = tpu.memref_slice %arg6[%dma_wait3A_227, %dma_wait3A_228] : memref<100000x128xf32, #tpu.memory_space<hbm>> -> memref<100000x128xf32, #tpu.memory_space<hbm>>
    tpu.wait_indirect_dma semaphore(%arg21 : memref<!tpu.dma_semaphore, #tpu.memory_space<semaphore_mem>>) src(%dma_wait3A_229 : memref<100000x128xf32, #tpu.memory_space<hbm>>) dst(%arg17 : memref<128x128xf32, #tpu.memory_space<vmem>>)
    %dma_wait3A_230 = arith.constant 3 : i32
    %dma_wait3A_231 = arith.constant 0 : i32
    %dma_wait3A_232 = tpu.memref_slice %arg13[%dma_wait3A_230, %dma_wait3A_231] : memref<4x128xi32, #tpu.memory_space<vmem>> -> memref<1x128xi32, #tpu.memory_space<vmem>>
    %dma_wait3A_233 = tpu.memref_squeeze %dma_wait3A_232 : memref<1x128xi32, #tpu.memory_space<vmem>> -> memref<128xi32, #tpu.memory_space<vmem>>
    %dma_wait3A_234 = arith.constant 0 : i32
    %dma_wait3A_235 = arith.constant 0 : i32
    %dma_wait3A_236 = tpu.memref_slice %arg7[%dma_wait3A_234, %dma_wait3A_235] : memref<12500x128xf32, #tpu.memory_space<hbm>> -> memref<12500x128xf32, #tpu.memory_space<hbm>>
    tpu.wait_indirect_dma semaphore(%arg21 : memref<!tpu.dma_semaphore, #tpu.memory_space<semaphore_mem>>) src(%dma_wait3A_236 : memref<12500x128xf32, #tpu.memory_space<hbm>>) dst(%arg19 : memref<128x128xf32, #tpu.memory_space<vmem>>)
    %add3A_237 = arith.constant 384 : i32
    %add3A_238 = arith.addi %mul3A_4, %add3A_237 : i32
    %dma_start3A_239 = arith.constant 0 : i32
    %dma_start3A_240 = tpu.memref_slice %arg8[%add3A_238, %dma_start3A_239] : memref<16384x128xf32, #tpu.memory_space<hbm>> -> memref<128x128xf32, #tpu.memory_space<hbm>>
    %dma_start3A_241 = arith.constant 0 : i32
    %dma_start3A_242 = tpu.memref_slice %arg8[%add3A_238, %dma_start3A_241] : memref<16384x128xf32, #tpu.memory_space<hbm>> -> memref<128x128xf32, #tpu.memory_space<hbm>>
    tpu.enqueue_dma source(%arg15 : memref<128x128xf32, #tpu.memory_space<vmem>>) target(%dma_start3A_242 : memref<128x128xf32, #tpu.memory_space<hbm>>) target_semaphore(%arg23 : memref<!tpu.dma_semaphore, #tpu.memory_space<semaphore_mem>>)
    %dma_start3A_243 = arith.constant 0 : i32
    %dma_start3A_244 = tpu.memref_slice %arg9[%add3A_238, %dma_start3A_243] : memref<16384x128xf32, #tpu.memory_space<hbm>> -> memref<128x128xf32, #tpu.memory_space<hbm>>
    %dma_start3A_245 = arith.constant 0 : i32
    %dma_start3A_246 = tpu.memref_slice %arg9[%add3A_238, %dma_start3A_245] : memref<16384x128xf32, #tpu.memory_space<hbm>> -> memref<128x128xf32, #tpu.memory_space<hbm>>
    tpu.enqueue_dma source(%arg17 : memref<128x128xf32, #tpu.memory_space<vmem>>) target(%dma_start3A_246 : memref<128x128xf32, #tpu.memory_space<hbm>>) target_semaphore(%arg23 : memref<!tpu.dma_semaphore, #tpu.memory_space<semaphore_mem>>)
    %dma_start3A_247 = arith.constant 0 : i32
    %dma_start3A_248 = tpu.memref_slice %arg10[%add3A_238, %dma_start3A_247] : memref<16384x128xf32, #tpu.memory_space<hbm>> -> memref<128x128xf32, #tpu.memory_space<hbm>>
    %dma_start3A_249 = arith.constant 0 : i32
    %dma_start3A_250 = tpu.memref_slice %arg10[%add3A_238, %dma_start3A_249] : memref<16384x128xf32, #tpu.memory_space<hbm>> -> memref<128x128xf32, #tpu.memory_space<hbm>>
    tpu.enqueue_dma source(%arg19 : memref<128x128xf32, #tpu.memory_space<vmem>>) target(%dma_start3A_250 : memref<128x128xf32, #tpu.memory_space<hbm>>) target_semaphore(%arg23 : memref<!tpu.dma_semaphore, #tpu.memory_space<semaphore_mem>>)
    %dma_wait3A_251 = arith.constant 0 : i32
    %dma_wait3A_252 = tpu.memref_slice %arg8[%add3A_203, %dma_wait3A_251] : memref<16384x128xf32, #tpu.memory_space<hbm>> -> memref<128x128xf32, #tpu.memory_space<hbm>>
    %dma_wait3A_253 = arith.constant 0 : i32
    %dma_wait3A_254 = tpu.memref_slice %arg8[%add3A_203, %dma_wait3A_253] : memref<16384x128xf32, #tpu.memory_space<hbm>> -> memref<128x128xf32, #tpu.memory_space<hbm>>
    tpu.wait_dma2 semaphore(%arg22 : memref<!tpu.dma_semaphore, #tpu.memory_space<semaphore_mem>>) src(%arg14 : memref<128x128xf32, #tpu.memory_space<vmem>>) dst(%dma_wait3A_254 : memref<128x128xf32, #tpu.memory_space<hbm>>)
    %dma_wait3A_255 = arith.constant 0 : i32
    %dma_wait3A_256 = tpu.memref_slice %arg9[%add3A_203, %dma_wait3A_255] : memref<16384x128xf32, #tpu.memory_space<hbm>> -> memref<128x128xf32, #tpu.memory_space<hbm>>
    %dma_wait3A_257 = arith.constant 0 : i32
    %dma_wait3A_258 = tpu.memref_slice %arg9[%add3A_203, %dma_wait3A_257] : memref<16384x128xf32, #tpu.memory_space<hbm>> -> memref<128x128xf32, #tpu.memory_space<hbm>>
    tpu.wait_dma2 semaphore(%arg22 : memref<!tpu.dma_semaphore, #tpu.memory_space<semaphore_mem>>) src(%arg16 : memref<128x128xf32, #tpu.memory_space<vmem>>) dst(%dma_wait3A_258 : memref<128x128xf32, #tpu.memory_space<hbm>>)
    %dma_wait3A_259 = arith.constant 0 : i32
    %dma_wait3A_260 = tpu.memref_slice %arg10[%add3A_203, %dma_wait3A_259] : memref<16384x128xf32, #tpu.memory_space<hbm>> -> memref<128x128xf32, #tpu.memory_space<hbm>>
    %dma_wait3A_261 = arith.constant 0 : i32
    %dma_wait3A_262 = tpu.memref_slice %arg10[%add3A_203, %dma_wait3A_261] : memref<16384x128xf32, #tpu.memory_space<hbm>> -> memref<128x128xf32, #tpu.memory_space<hbm>>
    tpu.wait_dma2 semaphore(%arg22 : memref<!tpu.dma_semaphore, #tpu.memory_space<semaphore_mem>>) src(%arg18 : memref<128x128xf32, #tpu.memory_space<vmem>>) dst(%dma_wait3A_262 : memref<128x128xf32, #tpu.memory_space<hbm>>)
    %dma_wait3A_263 = arith.constant 0 : i32
    %dma_wait3A_264 = tpu.memref_slice %arg8[%add3A_238, %dma_wait3A_263] : memref<16384x128xf32, #tpu.memory_space<hbm>> -> memref<128x128xf32, #tpu.memory_space<hbm>>
    %dma_wait3A_265 = arith.constant 0 : i32
    %dma_wait3A_266 = tpu.memref_slice %arg8[%add3A_238, %dma_wait3A_265] : memref<16384x128xf32, #tpu.memory_space<hbm>> -> memref<128x128xf32, #tpu.memory_space<hbm>>
    tpu.wait_dma2 semaphore(%arg23 : memref<!tpu.dma_semaphore, #tpu.memory_space<semaphore_mem>>) src(%arg15 : memref<128x128xf32, #tpu.memory_space<vmem>>) dst(%dma_wait3A_266 : memref<128x128xf32, #tpu.memory_space<hbm>>)
    %dma_wait3A_267 = arith.constant 0 : i32
    %dma_wait3A_268 = tpu.memref_slice %arg9[%add3A_238, %dma_wait3A_267] : memref<16384x128xf32, #tpu.memory_space<hbm>> -> memref<128x128xf32, #tpu.memory_space<hbm>>
    %dma_wait3A_269 = arith.constant 0 : i32
    %dma_wait3A_270 = tpu.memref_slice %arg9[%add3A_238, %dma_wait3A_269] : memref<16384x128xf32, #tpu.memory_space<hbm>> -> memref<128x128xf32, #tpu.memory_space<hbm>>
    tpu.wait_dma2 semaphore(%arg23 : memref<!tpu.dma_semaphore, #tpu.memory_space<semaphore_mem>>) src(%arg17 : memref<128x128xf32, #tpu.memory_space<vmem>>) dst(%dma_wait3A_270 : memref<128x128xf32, #tpu.memory_space<hbm>>)
    %dma_wait3A_271 = arith.constant 0 : i32
    %dma_wait3A_272 = tpu.memref_slice %arg10[%add3A_238, %dma_wait3A_271] : memref<16384x128xf32, #tpu.memory_space<hbm>> -> memref<128x128xf32, #tpu.memory_space<hbm>>
    %dma_wait3A_273 = arith.constant 0 : i32
    %dma_wait3A_274 = tpu.memref_slice %arg10[%add3A_238, %dma_wait3A_273] : memref<16384x128xf32, #tpu.memory_space<hbm>> -> memref<128x128xf32, #tpu.memory_space<hbm>>
    tpu.wait_dma2 semaphore(%arg23 : memref<!tpu.dma_semaphore, #tpu.memory_space<semaphore_mem>>) src(%arg19 : memref<128x128xf32, #tpu.memory_space<vmem>>) dst(%dma_wait3A_274 : memref<128x128xf32, #tpu.memory_space<hbm>>)
    return
  }
}

module attributes {stable_mosaic.version = 14 : i64} {
  func.func @_mlp_body(%arg0: i32, %arg1: memref<4096x128xf32, #tpu.memory_space<vmem>>, %arg2: memref<4096x128xf32, #tpu.memory_space<vmem>>, %arg3: memref<4096x128xf32, #tpu.memory_space<vmem>>, %arg4: memref<4096x31xf32, #tpu.memory_space<vmem>>, %arg5: memref<128x128xf32, #tpu.memory_space<vmem>>, %arg6: memref<128x128xf32, #tpu.memory_space<vmem>>, %arg7: memref<128x128xf32, #tpu.memory_space<vmem>>, %arg8: memref<31x128xf32, #tpu.memory_space<vmem>>, %arg9: memref<1x128xf32, #tpu.memory_space<vmem>>, %arg10: memref<128x32xf32, #tpu.memory_space<vmem>>, %arg11: memref<1x32xf32, #tpu.memory_space<vmem>>, %arg12: memref<32x1xf32, #tpu.memory_space<vmem>>, %arg13: memref<1x1xf32, #tpu.memory_space<vmem>>, %arg14: memref<4096x1xf32, #tpu.memory_space<vmem>>) attributes {dimension_semantics = [#tpu.dimension_semantics<arbitrary>], iteration_bounds = array<i64: 4>, scalar_prefetch = 0 : i64, scratch_operands = 0 : i64, tpu.core_type = #tpu.core_type<tc>, window_params = [{transform_indices = @transform_0, window_bounds = array<i64: 4096, 128>}, {transform_indices = @transform_1, window_bounds = array<i64: 4096, 128>}, {transform_indices = @transform_2, window_bounds = array<i64: 4096, 128>}, {transform_indices = @transform_3, window_bounds = array<i64: 4096, 31>}, {pipeline_mode = #tpu.pipeline_mode<synchronous>, transform_indices = @transform_4, window_bounds = array<i64: 128, 128>}, {pipeline_mode = #tpu.pipeline_mode<synchronous>, transform_indices = @transform_5, window_bounds = array<i64: 128, 128>}, {pipeline_mode = #tpu.pipeline_mode<synchronous>, transform_indices = @transform_6, window_bounds = array<i64: 128, 128>}, {pipeline_mode = #tpu.pipeline_mode<synchronous>, transform_indices = @transform_7, window_bounds = array<i64: 31, 128>}, {pipeline_mode = #tpu.pipeline_mode<synchronous>, transform_indices = @transform_8, window_bounds = array<i64: 1, 128>}, {pipeline_mode = #tpu.pipeline_mode<synchronous>, transform_indices = @transform_9, window_bounds = array<i64: 128, 32>}, {pipeline_mode = #tpu.pipeline_mode<synchronous>, transform_indices = @transform_10, window_bounds = array<i64: 1, 32>}, {pipeline_mode = #tpu.pipeline_mode<synchronous>, transform_indices = @transform_11, window_bounds = array<i64: 32, 1>}, {pipeline_mode = #tpu.pipeline_mode<synchronous>, transform_indices = @transform_12, window_bounds = array<i64: 1, 1>}, {transform_indices = @transform_13, window_bounds = array<i64: 4096, 1>}]} {
    %get3A = arith.constant 0 : index
    %get3A_0 = arith.constant 0 : index
    %get3A_1 = vector.load %arg4[%get3A, %get3A_0] : memref<4096x31xf32, #tpu.memory_space<vmem>>, vector<4096x31xf32>
    %slice3A = vector.extract_strided_slice %get3A_1 {offsets = [0, 19], sizes = [4096, 1], strides = [1, 1]} : vector<4096x31xf32> to vector<4096x1xf32>
    %convert_element_type3A = arith.fptosi %slice3A : vector<4096x1xf32> to vector<4096x1xi32>
    %rem3A = arith.constant 8 : i32
    %rem3A_2 = vector.broadcast %rem3A : i32 to vector<4096x1xi32>
    %rem3A_3 = arith.remsi %convert_element_type3A, %rem3A_2 : vector<4096x1xi32>
    %iota3A = tpu.iota {dimensions = array<i32: 1>} : vector<4096x128xi32>
    %jit3A = arith.constant 16 : i32
    %div3A = vector.broadcast %jit3A : i32 to vector<4096x128xi32>
    %div3A_4 = arith.divsi %iota3A, %div3A : vector<4096x128xi32>
    %sign3A = arith.constant 0 : i32
    %sign3A_5 = vector.broadcast %sign3A : i32 to vector<4096x128xi32>
    %sign3A_6 = arith.cmpi sgt, %iota3A, %sign3A_5 : vector<4096x128xi32>
    %sign3A_7 = arith.extui %sign3A_6 : vector<4096x128xi1> to vector<4096x128xi32>
    %sign3A_8 = arith.constant 0 : i32
    %sign3A_9 = vector.broadcast %sign3A_8 : i32 to vector<4096x128xi32>
    %sign3A_10 = arith.cmpi slt, %iota3A, %sign3A_9 : vector<4096x128xi32>
    %sign3A_11 = arith.extui %sign3A_10 : vector<4096x128xi1> to vector<4096x128xi32>
    %sign3A_12 = arith.subi %sign3A_7, %sign3A_11 : vector<4096x128xi32>
    %sign3A_13 = arith.constant 0 : i32
    %sign3A_14 = arith.cmpi sgt, %jit3A, %sign3A_13 : i32
    %sign3A_15 = arith.extui %sign3A_14 : i1 to i32
    %sign3A_16 = arith.constant 0 : i32
    %sign3A_17 = arith.cmpi slt, %jit3A, %sign3A_16 : i32
    %sign3A_18 = arith.extui %sign3A_17 : i1 to i32
    %sign3A_19 = arith.subi %sign3A_15, %sign3A_18 : i32
    %ne3A = vector.broadcast %sign3A_19 : i32 to vector<4096x128xi32>
    %ne3A_20 = arith.cmpi ne, %sign3A_12, %ne3A : vector<4096x128xi32>
    %rem3A_21 = vector.broadcast %jit3A : i32 to vector<4096x128xi32>
    %rem3A_22 = arith.remsi %iota3A, %rem3A_21 : vector<4096x128xi32>
    %ne3A_23 = arith.constant 0 : i32
    %ne3A_24 = vector.broadcast %ne3A_23 : i32 to vector<4096x128xi32>
    %ne3A_25 = arith.cmpi ne, %rem3A_22, %ne3A_24 : vector<4096x128xi32>
    %and3A = arith.andi %ne3A_20, %ne3A_25 : vector<4096x128xi1>
    %sub3A = arith.constant 1 : i32
    %sub3A_26 = vector.broadcast %sub3A : i32 to vector<4096x128xi32>
    %sub3A_27 = arith.subi %div3A_4, %sub3A_26 : vector<4096x128xi32>
    %select_n3A = arith.select %and3A, %sub3A_27, %div3A_4 : vector<4096x128xi1>, vector<4096x128xi32>
    %eq3A = vector.broadcast %rem3A_3 : vector<4096x1xi32> to vector<4096x128xi32>
    %eq3A_28 = arith.cmpi eq, %select_n3A, %eq3A : vector<4096x128xi32>
    %get3A_29 = arith.constant 0 : index
    %get3A_30 = arith.constant 0 : index
    %get3A_31 = vector.load %arg3[%get3A_29, %get3A_30] : memref<4096x128xf32, #tpu.memory_space<vmem>>, vector<4096x128xf32>
    %jit3A_32 = arith.constant 0.000000e+00 : f32
    %broadcast_in_dim3A = vector.broadcast %jit3A_32 : f32 to vector<4096x128xf32>
    %select_n3A_33 = arith.select %eq3A_28, %get3A_31, %broadcast_in_dim3A : vector<4096x128xi1>, vector<4096x128xf32>
    %get3A_34 = arith.constant 0 : index
    %get3A_35 = arith.constant 0 : index
    %get3A_36 = vector.load %arg1[%get3A_34, %get3A_35] : memref<4096x128xf32, #tpu.memory_space<vmem>>, vector<4096x128xf32>
    %get3A_37 = arith.constant 0 : index
    %get3A_38 = arith.constant 0 : index
    %get3A_39 = vector.load %arg5[%get3A_37, %get3A_38] : memref<128x128xf32, #tpu.memory_space<vmem>>, vector<128x128xf32>
    %dot_general3A = arith.constant dense<0.000000e+00> : vector<4096x128xf32>
    %dot_general3A_40 = tpu.matmul %get3A_36, %get3A_39, %dot_general3A {dimension_numbers = #tpu.dot_dimension_numbers<[1], [0], [0], [1], [0, 0, 1, 1], [], []>, transpose_lhs_hint = false} : vector<4096x128xf32>, vector<128x128xf32>, vector<4096x128xf32> -> vector<4096x128xf32>
    %get3A_41 = arith.constant 0 : index
    %get3A_42 = arith.constant 0 : index
    %get3A_43 = vector.load %arg2[%get3A_41, %get3A_42] : memref<4096x128xf32, #tpu.memory_space<vmem>>, vector<4096x128xf32>
    %get3A_44 = arith.constant 0 : index
    %get3A_45 = arith.constant 0 : index
    %get3A_46 = vector.load %arg6[%get3A_44, %get3A_45] : memref<128x128xf32, #tpu.memory_space<vmem>>, vector<128x128xf32>
    %dot_general3A_47 = arith.constant dense<0.000000e+00> : vector<4096x128xf32>
    %dot_general3A_48 = tpu.matmul %get3A_43, %get3A_46, %dot_general3A_47 {dimension_numbers = #tpu.dot_dimension_numbers<[1], [0], [0], [1], [0, 0, 1, 1], [], []>, transpose_lhs_hint = false} : vector<4096x128xf32>, vector<128x128xf32>, vector<4096x128xf32> -> vector<4096x128xf32>
    %add3A = arith.addf %dot_general3A_40, %dot_general3A_48 : vector<4096x128xf32>
    %get3A_49 = arith.constant 0 : index
    %get3A_50 = arith.constant 0 : index
    %get3A_51 = vector.load %arg7[%get3A_49, %get3A_50] : memref<128x128xf32, #tpu.memory_space<vmem>>, vector<128x128xf32>
    %dot_general3A_52 = arith.constant dense<0.000000e+00> : vector<4096x128xf32>
    %dot_general3A_53 = tpu.matmul %select_n3A_33, %get3A_51, %dot_general3A_52 {dimension_numbers = #tpu.dot_dimension_numbers<[1], [0], [0], [1], [0, 0, 1, 1], [], []>, transpose_lhs_hint = false} : vector<4096x128xf32>, vector<128x128xf32>, vector<4096x128xf32> -> vector<4096x128xf32>
    %add3A_54 = arith.addf %add3A, %dot_general3A_53 : vector<4096x128xf32>
    %get3A_55 = arith.constant 0 : index
    %get3A_56 = arith.constant 0 : index
    %get3A_57 = vector.load %arg8[%get3A_55, %get3A_56] : memref<31x128xf32, #tpu.memory_space<vmem>>, vector<31x128xf32>
    %dot_general3A_58 = arith.constant dense<0.000000e+00> : vector<4096x128xf32>
    %dot_general3A_59 = tpu.matmul %get3A_1, %get3A_57, %dot_general3A_58 {dimension_numbers = #tpu.dot_dimension_numbers<[1], [0], [0], [1], [0, 0, 1, 1], [], []>, transpose_lhs_hint = false} : vector<4096x31xf32>, vector<31x128xf32>, vector<4096x128xf32> -> vector<4096x128xf32>
    %add3A_60 = arith.addf %add3A_54, %dot_general3A_59 : vector<4096x128xf32>
    %get3A_61 = arith.constant 0 : index
    %get3A_62 = arith.constant 0 : index
    %get3A_63 = vector.load %arg9[%get3A_61, %get3A_62] : memref<1x128xf32, #tpu.memory_space<vmem>>, vector<1x128xf32>
    %add3A_64 = vector.broadcast %get3A_63 : vector<1x128xf32> to vector<4096x128xf32>
    %add3A_65 = arith.addf %add3A_60, %add3A_64 : vector<4096x128xf32>
    %max3A = arith.constant 0.000000e+00 : f32
    %max3A_66 = vector.broadcast %max3A : f32 to vector<4096x128xf32>
    %max3A_67 = arith.maximumf %add3A_65, %max3A_66 : vector<4096x128xf32>
    %get3A_68 = arith.constant 0 : index
    %get3A_69 = arith.constant 0 : index
    %get3A_70 = vector.load %arg10[%get3A_68, %get3A_69] : memref<128x32xf32, #tpu.memory_space<vmem>>, vector<128x32xf32>
    %dot_general3A_71 = arith.constant dense<0.000000e+00> : vector<4096x32xf32>
    %dot_general3A_72 = tpu.matmul %max3A_67, %get3A_70, %dot_general3A_71 {dimension_numbers = #tpu.dot_dimension_numbers<[1], [0], [0], [1], [0, 0, 1, 1], [], []>, transpose_lhs_hint = false} : vector<4096x128xf32>, vector<128x32xf32>, vector<4096x32xf32> -> vector<4096x32xf32>
    %get3A_73 = arith.constant 0 : index
    %get3A_74 = arith.constant 0 : index
    %get3A_75 = vector.load %arg11[%get3A_73, %get3A_74] : memref<1x32xf32, #tpu.memory_space<vmem>>, vector<1x32xf32>
    %add3A_76 = vector.broadcast %get3A_75 : vector<1x32xf32> to vector<4096x32xf32>
    %add3A_77 = arith.addf %dot_general3A_72, %add3A_76 : vector<4096x32xf32>
    %max3A_78 = arith.constant 0.000000e+00 : f32
    %max3A_79 = vector.broadcast %max3A_78 : f32 to vector<4096x32xf32>
    %max3A_80 = arith.maximumf %add3A_77, %max3A_79 : vector<4096x32xf32>
    %get3A_81 = arith.constant 0 : index
    %get3A_82 = arith.constant 0 : index
    %get3A_83 = vector.load %arg12[%get3A_81, %get3A_82] : memref<32x1xf32, #tpu.memory_space<vmem>>, vector<32x1xf32>
    %dot_general3A_84 = arith.constant dense<0.000000e+00> : vector<4096x1xf32>
    %dot_general3A_85 = tpu.matmul %max3A_80, %get3A_83, %dot_general3A_84 {dimension_numbers = #tpu.dot_dimension_numbers<[1], [0], [0], [1], [0, 0, 1, 1], [], []>, transpose_lhs_hint = false} : vector<4096x32xf32>, vector<32x1xf32>, vector<4096x1xf32> -> vector<4096x1xf32>
    %get3A_86 = arith.constant 0 : index
    %get3A_87 = arith.constant 0 : index
    %get3A_88 = vector.load %arg13[%get3A_86, %get3A_87] : memref<1x1xf32, #tpu.memory_space<vmem>>, vector<1x1xf32>
    %add3A_89 = vector.broadcast %get3A_88 : vector<1x1xf32> to vector<4096x1xf32>
    %add3A_90 = arith.addf %dot_general3A_85, %add3A_89 : vector<4096x1xf32>
    %tanh3A = math.tanh %add3A_90 : vector<4096x1xf32>
    %swap3A = arith.constant 0 : index
    %swap3A_91 = arith.constant 0 : index
    %swap3A_92 = vector.load %arg14[%swap3A, %swap3A_91] : memref<4096x1xf32, #tpu.memory_space<vmem>>, vector<4096x1xf32>
    tpu.vector_store %arg14[%swap3A, %swap3A_91], %tanh3A {strides = array<i32>} : memref<4096x1xf32, #tpu.memory_space<vmem>>, vector<4096x1xf32>,
    return
  }
  func.func @transform_0(%arg0: i32) -> (i32, i32) {
    %c0_i32 = arith.constant 0 : i32
    %c0_i32_0 = arith.constant 0 : i32
    return %arg0, %c0_i32 : i32, i32
  }
  func.func @transform_1(%arg0: i32) -> (i32, i32) {
    %c0_i32 = arith.constant 0 : i32
    %c0_i32_0 = arith.constant 0 : i32
    return %arg0, %c0_i32 : i32, i32
  }
  func.func @transform_2(%arg0: i32) -> (i32, i32) {
    %c0_i32 = arith.constant 0 : i32
    %c0_i32_0 = arith.constant 0 : i32
    return %arg0, %c0_i32 : i32, i32
  }
  func.func @transform_3(%arg0: i32) -> (i32, i32) {
    %c0_i32 = arith.constant 0 : i32
    %c0_i32_0 = arith.constant 0 : i32
    return %arg0, %c0_i32 : i32, i32
  }
  func.func @transform_4(%arg0: i32) -> (i32, i32) {
    %c0_i32 = arith.constant 0 : i32
    %c0_i32_0 = arith.constant 0 : i32
    %c0_i32_1 = arith.constant 0 : i32
    return %c0_i32, %c0_i32_0 : i32, i32
  }
  func.func @transform_5(%arg0: i32) -> (i32, i32) {
    %c0_i32 = arith.constant 0 : i32
    %c0_i32_0 = arith.constant 0 : i32
    %c0_i32_1 = arith.constant 0 : i32
    return %c0_i32, %c0_i32_0 : i32, i32
  }
  func.func @transform_6(%arg0: i32) -> (i32, i32) {
    %c0_i32 = arith.constant 0 : i32
    %c0_i32_0 = arith.constant 0 : i32
    %c0_i32_1 = arith.constant 0 : i32
    return %c0_i32, %c0_i32_0 : i32, i32
  }
  func.func @transform_7(%arg0: i32) -> (i32, i32) {
    %c0_i32 = arith.constant 0 : i32
    %c0_i32_0 = arith.constant 0 : i32
    %c0_i32_1 = arith.constant 0 : i32
    return %c0_i32, %c0_i32_0 : i32, i32
  }
  func.func @transform_8(%arg0: i32) -> (i32, i32) {
    %c0_i32 = arith.constant 0 : i32
    %c0_i32_0 = arith.constant 0 : i32
    %c0_i32_1 = arith.constant 0 : i32
    return %c0_i32, %c0_i32_0 : i32, i32
  }
  func.func @transform_9(%arg0: i32) -> (i32, i32) {
    %c0_i32 = arith.constant 0 : i32
    %c0_i32_0 = arith.constant 0 : i32
    %c0_i32_1 = arith.constant 0 : i32
    return %c0_i32, %c0_i32_0 : i32, i32
  }
  func.func @transform_10(%arg0: i32) -> (i32, i32) {
    %c0_i32 = arith.constant 0 : i32
    %c0_i32_0 = arith.constant 0 : i32
    %c0_i32_1 = arith.constant 0 : i32
    return %c0_i32, %c0_i32_0 : i32, i32
  }
  func.func @transform_11(%arg0: i32) -> (i32, i32) {
    %c0_i32 = arith.constant 0 : i32
    %c0_i32_0 = arith.constant 0 : i32
    %c0_i32_1 = arith.constant 0 : i32
    return %c0_i32, %c0_i32_0 : i32, i32
  }
  func.func @transform_12(%arg0: i32) -> (i32, i32) {
    %c0_i32 = arith.constant 0 : i32
    %c0_i32_0 = arith.constant 0 : i32
    %c0_i32_1 = arith.constant 0 : i32
    return %c0_i32, %c0_i32_0 : i32, i32
  }
  func.func @transform_13(%arg0: i32) -> (i32, i32) {
    %c0_i32 = arith.constant 0 : i32
    %c0_i32_0 = arith.constant 0 : i32
    return %arg0, %c0_i32 : i32, i32
  }
}

</mosaic_0001>

<sc_bundles>
// kernel: kernel.4.cloned.1.call-start
scs
__scs_entry_jumppad:
0x0: {  	(pc) =	sbr.rel $0x88, $3  }
0x1: {  	(tag) =	ssettag $0x0;
	lr =	simm.s32 $0x1  }
0x2: {  	[smem:$0x3F97] =	sst lr;
	_ =	strace $0xD0000000  }
0x3: {  	_ = 	snop  }
0x4: {  	_ = 	snop  }
0x5: {  	_ = 	snop  }
0x6: {  	_ = 	snop  }
0x7: {  	_ = 	snop  }
__scs_overlays_trampoline_lowered:
0x8: {  	[smem:$0x3FA6] =	sst s0  }
0x9: {  	[smem:$0x3FA7] =	sst s1  }
0xa: {  	[smem:$0x3FA8] =	sst s2  }
0xb: {  	[smem:$0x3FA9] =	sst s3  }
0xc: {  	[smem:$0x3FAA] =	sst s4  }
0xd: {  	[smem:$0x3FAB] =	sst s5  }
0xe: {  	[smem:$0x3FAC] =	sst s6  }
0xf: {  	[smem:$0x3FAD] =	sst s7  }
0x10: {  	[smem:$0x3FAE] =	sst s8  }
0x11: {  	[smem:$0x3FAF] =	sst s9;
	s0 =	simm.s32 @!p0 $0x0  }
0x12: {  	s1 =	sld [smem:$0x3F95];
	s0 =	simm.s32 @p0 $0x1  }
0x13: {  	[smem:$0x3FB0] =	sst s0;
	s0 =	simm.s32 @!p1 $0x0  }
0x14: {  	s2 =	sld [smem:$0x3F94];
	s0 =	simm.s32 @p1 $0x1  }
0x15: {  	[smem:$0x3FB1] =	sst s0;
	s0 =	simm.s32 @!p2 $0x0  }
0x16: {  	s3 =	sld [smem:$0x3FDB];
	s0 =	simm.s32 @p2 $0x1  }
0x17: {  	s4 =	simm.s32 $0x1BF5;
	[smem:$0x3FB3] =	sst s0  }
0x18: {  	s0 =	sld [smem:$0x3F96];
	_ =	swait.ge [sflag:s4], $0x0  }
0x19: {  	s7 =	sld [smem:$0x3F97]  }
0x1a: {  	s8 =	sadd.s32 $0xFFFFE003, lr  }
0x1b: {  	s9 =	sadd.s32 $0xFFFFFEF7, lr;
	s5 =	simm.s32 $0xFFFFFFFF;
	p2 =	slt.u32 s8, $0xFFFFF086  }
0x1c: {  	p1 =	slt.u32 s9, $0xF7A;
	s5 =	simm.s32 @!p2 $0x0  }
0x1d: {  	s5 =	simm.s32 @p1 $0x1;
	p0 =	seq.s32 s7, s2  }
0x1e: {  	s7 =	smul.u32 @!p0 $0xF7A, s2;
	p2 =	seq.s32 @!p0 s5, $0x0  }
0x1f: {  	s9 =	smul.u32 $0xF7A, s1;
	s8 =	simm.s32 @!p0 $0x1BF5;
	p2 =	por !p2, p0  }
0x20: {  	[sflag:s8] =	ssyncset.s32 @!p0 $0xFFFFF086;
	s6 =	sadd.s32 @!p0 s3, s7;
	s7 =	simm.s32 @!p0 $0x108  }
0x21: {  	s3 =	sadd.s32 s3, s9;
	s6 =	sadd.s32 @!p0 $0x88, s6;
	s7 =	simm.s32 @p2 $0x1082  }
0x22: {  	[simem:s7], [sflag:s8] =	dma.local @!p0 [hbm:s6], $0xF7A  }
0x23: {  	s9 =	sor.u32 $0xD0000000, s2;
	s6 =	simm.s32 $0x108;
	_ =	swait.ge @!p0 [sflag:s8], $0x0  }
0x24: {  	s3 =	sadd.s32 $0x88, s3;
	s6 =	simm.s32 @!p1 $0x1082;
	[sflag:s4] =	ssyncset.s32 $0xFFFFF086  }
0x25: {  	[simem:s6], [sflag:s4] =	dma.local [hbm:s3], $0xF7A  }
0x26: {  	[smem:$0x3F97] =	sst s1;
	(tag) =	ssettag s2;
	_ =	strace s9  }
0x27: {  	s1 =	sld [smem:$0x3FA7]  }
0x28: {  	s2 =	sld [smem:$0x3FA8]  }
0x29: {  	s4 =	sld [smem:$0x3FAA]  }
0x2a: {  	p0 =	seq.s32 s5, $0x0;
	s5 =	sld [smem:$0x3FAB]  }
0x2b: {  	s6 =	sld [smem:$0x3FAC]  }
0x2c: {  	s7 =	sld [smem:$0x3FAD]  }
0x2d: {  	s3 =	simm.s32 $0x108;
	s8 =	sld [smem:$0x3FAE]  }
0x2e: {  	s3 =	simm.s32 @!p0 $0x1082;
	s9 =	sld [smem:$0x3FAF]  }
0x2f: {  	lr =	sadd.s32 s0, s3;
	s0 =	sld [smem:$0x3FA6]  }
0x30: {  	s3 =	sld [smem:$0x3FA9]  }
0x31: {  	[smem:$0x3FB2] =	sst s10  }
0x32: {  	s10 =	sld [smem:$0x3FB0];
	_ =	sdelay $0x3  }
0x33: {  	p0 =	seq.s32 s10, $0x1;
	s10 =	sld [smem:$0x3FB2];
	_ =	sdelay $0x3  }
0x34: {  	[smem:$0x3FB2] =	sst s10  }
0x35: {  	s10 =	sld [smem:$0x3FB1];
	_ =	sdelay $0x3  }
0x36: {  	p1 =	seq.s32 s10, $0x1;
	s10 =	sld [smem:$0x3FB2];
	_ =	sdelay $0x3  }
0x37: {  	[smem:$0x3FB2] =	sst s10  }
0x38: {  	s10 =	sld [smem:$0x3FB3]  }
0x39: {  	_ = 	snop;
	(pc) =	sbr.ind lr, $3  }
0x3a: {  	_ = 	snop  }
0x3b: {  	_ = 	snop  }
0x3c: {  	p2 =	seq.s32 s10, $0x1;
	s10 =	sld [smem:$0x3FB2]  }
0x3d: {  	_ =	shalt  }
0x3e: {  	_ =	shalt  }
0x3f: {  	_ =	shalt  }
0x40: {  	_ =	shalt  }
0x41: {  	_ =	shalt  }
0x42: {  	_ =	shalt  }
0x43: {  	_ =	shalt  }
0x44: {  	_ =	shalt  }
0x45: {  	_ =	shalt  }
0x46: {  	_ =	shalt  }
0x47: {  	_ =	shalt  }
0x48: {  	_ =	shalt  }
0x49: {  	_ =	shalt  }
0x4a: {  	_ =	shalt  }
0x4b: {  	_ =	shalt  }
0x4c: {  	_ =	shalt  }
0x4d: {  	_ =	shalt  }
0x4e: {  	_ =	shalt  }
0x4f: {  	_ =	shalt  }
0x50: {  	_ =	shalt  }
0x51: {  	_ =	shalt  }
0x52: {  	_ =	shalt  }
0x53: {  	_ =	shalt  }
0x54: {  	_ =	shalt  }
0x55: {  	_ =	shalt  }
0x56: {  	_ =	shalt  }
0x57: {  	_ =	shalt  }
0x58: {  	_ =	shalt  }
0x59: {  	_ =	shalt  }
0x5a: {  	_ =	shalt  }
0x5b: {  	_ =	shalt  }
0x5c: {  	_ =	shalt  }
0x5d: {  	_ =	shalt  }
0x5e: {  	_ =	shalt  }
0x5f: {  	_ =	shalt  }
0x60: {  	_ =	shalt  }
0x61: {  	_ =	shalt  }
0x62: {  	_ =	shalt  }
0x63: {  	_ =	shalt  }
0x64: {  	_ =	shalt  }
0x65: {  	_ =	shalt  }
0x66: {  	_ =	shalt  }
0x67: {  	_ =	shalt  }
0x68: {  	_ =	shalt  }
0x69: {  	_ =	shalt  }
0x6a: {  	_ =	shalt  }
0x6b: {  	_ =	shalt  }
0x6c: {  	_ =	shalt  }
0x6d: {  	_ =	shalt  }
0x6e: {  	_ =	shalt  }
0x6f: {  	_ =	shalt  }
0x70: {  	_ =	shalt  }
0x71: {  	_ =	shalt  }
0x72: {  	_ =	shalt  }
0x73: {  	_ =	shalt  }
0x74: {  	_ =	shalt  }
0x75: {  	_ =	shalt  }
0x76: {  	_ =	shalt  }
0x77: {  	_ =	shalt  }
0x78: {  	_ =	shalt  }
0x79: {  	_ =	shalt  }
0x7a: {  	_ =	shalt  }
0x7b: {  	_ =	shalt  }
0x7c: {  	_ =	shalt  }
0x7d: {  	_ =	shalt  }
0x7e: {  	_ =	shalt  }
0x7f: {  	_ =	shalt  }
0x80: {  	_ =	shalt  }
0x81: {  	_ =	shalt  }
0x82: {  	_ =	shalt  }
0x83: {  	_ =	shalt  }
0x84: {  	_ =	shalt  }
0x85: {  	_ =	shalt  }
0x86: {  	_ =	shalt  }
0x87: {  	_ =	shalt  }
.Lfunc_end0:
.L_simem_size_0:
called_computation_lowered:
.L_overlay_start_0:
0x88: {  	s2 =	sld [smem:$0x3FD9]  }
0x89: {  	s3 =	sld [smem:$0x3FFE];
	_ =	sdelay $0x1  }
0x8a: {  	s1 =	srdreg.scid  }
0x8b: {  	s0 =	sand.u32 $0x1, s1  }
0x8c: {  	s17 =	sshll.u32 s0, $0xA;
	s2 =	sadd.s32 s3, s2  }
0x8d: {  	s2 =	sadd.s32 s2, s17  }
0x8e: {  	[smem:$0x3FBE] =	sst s2  }
0x8f: {  	_ = 	snop  }
0x90: {  	s2 =	sld [smem:$0x3FC8]  }
0x91: {  	s18 =	sld [smem:$0x3FC7]  }
0x92: {  	s4 =	sld [smem:$0x3FD0];
	(tm) =	ssettm $0x1  }
0x93: {  	s5 =	sld [smem:$0x3FFB];
	_ =	sdelay $0x3  }
0x94: {  	_ =	strace s5  }
0x95: {  	s5 =	sld [smem:$0x3FFC];
	_ =	sdelay $0x3  }
0x96: {  	_ =	strace s5  }
0x97: {  	s5 =	sld [smem:$0x3FFD];
	_ =	sdelay $0x3  }
0x98: {  	_ =	strace s5  }
0x99: {  	_ =	strace $0x8FFFFFFF  }
0x9a: {  	s19 =	sld [smem:$0x3FDB];
	_ =	sdelay $0x1  }
0x9b: {  	s6 =	simm.s32 $_scs_section_size  }
0x9c: {  	s7 =	simm.s32 $_size__tile_overlayer_lowered;
	s8 =	simm.s32 $_tile_overlayer_lowered  }
0x9d: {  	s22 =	simm.s32 $0x1BFF;
	s21 =	sshll.u32 s8, $0x1;
	s5 =	sadd.s32 s6, s19  }
0x9e: {  	s9 =	simm.s32 $0x0;
	s20 =	sshll.u32 s7, $0x1;
	s7 =	sadd.s32 s21, s5  }
0x9f: {  	[timem:s9], [sflag:s22] =	dma.local [hbm:s7], s20  }
0xa0: {  	_ =	swait.ge [sflag:s22], s20  }
0xa1: {  	s6 =	ssub.s32 $0x0, s20;
	[sflag:s22] =	ssyncset.done $0x0  }
0xa2: {  	[sflag:s22] =	ssyncadd.s32 s6;
	_ =	sdelay $0x1  }
0xa3: {  	s23 =	simm.s32 $0x1B8B  }
0xa4: {  	_ =	swait.ge [sflag:s23], $0x1  }
0xa5: {  	[sflag:s23] =	ssyncset.done $0x0  }
0xa6: {  	s25 =	simm.s32 $0x1B8E;
	s24 =	sld [smem:$0x3FFE];
	[sflag:s23] =	ssyncadd.s32 $0xFFFFFFFF  }
0xa7: {  	s26 =	simm.s32 $execute0_lowered;
	[smem:$0x3FD2] =	sst s25  }
0xa8: {  	s7 =	sshll.u32 s26, $0x1;
	_ =	strace $0x80000046;
	[dreg:$0x1] =	wrdreg $0xFFFFFFFF  }
0xa9: {  	s28 =	simm.s32 $_size_execute0_lowered;
	s5 =	sadd.s32 s5, s7;
	[dreg:$0x0] =	wrdreg $0x0  }
0xaa: {  	s7 =	sshll.u32 s28, $0x1;
	[dreg:$0x2] =	wrdreg s5  }
0xab: {  	[dreg:$0x3] =	wrdreg s7  }
0xac: {  	[dreg:$0x4] =	wrdreg $0xC0  }
0xad: {  	_ =	task [dreg:s9], $0x5FFFF  }
0xae: {  	[dreg:$0x1] =	wrdreg $0xFFFFFFFF  }
0xaf: {  	[dreg:$0x0] =	wrdreg $0x60  }
0xb0: {  	[dreg:$0x2] =	wrdreg s24  }
0xb1: {  	[dreg:$0x3] =	wrdreg s4  }
0xb2: {  	[dreg:$0x4] =	wrdreg s2  }
0xb3: {  	[dreg:$0x5] =	wrdreg s18  }
0xb4: {  	[dreg:$0x6] =	wrdreg $0x9  }
0xb5: {  	_ =	task.clear_ibuf [dreg:s9], $0x7FFFF;
	_ =	strace $0x90000046  }
0xb6: {  	s29 =	simm.s32 $0x9;
	_ =	strace $0x80000048  }
0xb7: {  	_ =	swait.ge [sflag:s29], $0x1  }
0xb8: {  	[sflag:s29] =	ssyncadd.s32 $0xFFFFFFFF  }
0xb9: {  	_ =	strace $0x90000048  }
0xba: {  	_ =	sfence  }
0xbb: {  	s30 =	sld [smem:$0x0];
	_ =	sdelay $0x2  }
0xbc: {  	s31 =	sshll.u32 s1, $0xD;
	s1 =	sshrl.u32 s1, $0x2  }
0xbd: {  	s3 =	sand.u32 $0x4000, s31;
	s1 =	sadd.s32 s1, s30  }
0xbe: {  	s0 =	sor.u32 s3, s0;
	s1 =	sshll.u32 s1, $0x11  }
0xbf: {  	s0 =	sor.u32 s1, s0  }
0xc0: {  	s0 =	sadd.s32 $0x8F2B, s0  }
0xc1: {  	[sflag:s0] =	ssyncadd.remote.s32 $0x1  }
0xc2: {  	_ =	sfence.sel $0xFFFF  }
0xc3: {  	[dreg:$0x0] =	wrdreg $0xFFFFFFFF;
	(pc) =	sbr.abs _section_cstart, $3  }
0xc4: {  	[dreg:$0x1] =	wrdreg $0xFFFFFFFF  }
0xc5: {  	_ =	task.clear_ibuf [dreg:s9], $0x2FFFF;
	_ =	strace $0x9FFFFFFF  }
0xc6: {  	(tm) =	ssettm $0x7FFFFFFF  }
0xc7: {  	_ =	shalt  }
tec
execute0_lowered:
.L_overlay_start_1:
0x0: {  	(tag) =	ssettag $0x1  }
0x1: {  	s0 =	rddreg [dreg:$0x0]  }
0x2: {  	s1 =	rddreg [dreg:$0x1]  }
0x3: {  	s2 =	srdreg.scid;
	s3 =	rddreg [dreg:$0x2]  }
0x4: {  	s20 =	stileid.u32;
	s4 =	rddreg [dreg:$0x3]  }
0x5: {  	s29 =	simm.s32 $0x5;
	s28 =	simm.s32 $0x400;
	s31 =	simm.s32 $0x480  }
0x6: {  	p0 =	por $0x0, $0x0;
	s30 =	simm.s32 $0x500;
	s5 =	sand.u32 $0x1, s2  }
0x7: {  	s6 =	sshll.u32 s20, $0x7;
	s2 =	simm.s32 $0x0;
	s9 =	sadd.s32 $0x3000, s0  }
0x8: {  	s25 =	sshll.u32 s20, $0xE;
	s11 =	sadd.s32 $0x83000, s0;
	s7 =	sshll.u32 s5, $0x6  }
0x9: {  	[smem:$0x7FF] =	sst s2;
	s26 =	sshll.u32 s5, $0xD;
	s19 =	ssub.s32 $0x2, s5  }
0xa: {  	s6 =	sor.u32 s7, s6;
	_ =	strace $0x80000047;
	s5 =	sshrl.u32 s19, $0x1  }
0xb: {  	s7 =	sadd.s32 s6, s0;
	s1 =	sadd.s32 s1, s6;
	s6 =	sor.u32 s26, s25  }
0xc: {  	s26 =	simm.s32 $0x200;
	s25 =	simm.s32 $0x300;
	s8 =	sadd.s32 $0x2000, s7  }
0xd: {  	[dreg:$0x6] =	wrdreg s1;
	s7 =	sadd.s32 $0x2800, s7;
	s10 =	sadd.s32 s9, s6  }
0xe: {  	s13 =	sadd.s32 s11, s6;
	s17 =	sor.u32 $0x1000, s6;
	[dreg:$0x5] =	wrdreg s8  }
0xf: {  	s1 =	ssub.s32 s19, s5;
	s23 =	sor.u32 $0x1800, s6;
	[dreg:$0x7] =	wrdreg s7  }
0x10: {  	s19 =	simm.s32 $0x80;
	s8 =	sadd.s32 $0x43000, s0;
	[dreg:$0x8] =	wrdreg s10  }
0x11: {  	s10 =	sor.u32 $0x800, s6;
	[dreg:$0xa] =	wrdreg s13;
	s18 =	sadd.s32 s9, s17  }
0x12: {  	s22 =	sadd.s32 s11, s17;
	s5 =	sadd.s32 s9, s23;
	s7 =	sadd.s32 s11, s23  }
0x13: {  	s24 =	smax.u32 s1, $0x1;
	s1 =	simm.s32 $0x280;
	s13 =	simm.s32 $0x14600  }
0x14: {  	s12 =	sadd.s32 s8, s6;
	s14 =	sadd.s32 s9, s10;
	s15 =	sadd.s32 s8, s10  }
0x15: {  	s16 =	sadd.s32 s11, s10;
	[dreg:$0xe] =	wrdreg s18;
	s21 =	sadd.s32 s8, s17  }
0x16: {  	[dreg:$0x10] =	wrdreg s22;
	s6 =	sadd.s32 s8, s23;
	s10 =	simm.s32 $0x4600  }
0x17: {  	s11 =	simm.s32 $0xC600;
	s18 =	simm.s32 $0x1;
	s9 =	simm.s32 $0x3  }
0x18: {  	p1 =	sne.s32 s24, $0x1;
	s24 =	sadd.s32 $0xFFFFFFFF, s24;
	[dreg:$0x9] =	wrdreg s12  }
.Ltmp0:
0x19: {  	s17 =	simm.s32 $0x2;
	[dreg:$0xb] =	wrdreg s14;
	(pc) =	sbr.rel @!p1 .LBB2_1-.Ltmp0, $4  }
0x1a: {  	s8 =	simm.s32 $0x4;
	s22 =	simm.s32 $0x380;
	[dreg:$0xc] =	wrdreg s15  }
0x1b: {  	s23 =	simm.s32 $0x580;
	s12 =	sadd.s32 $0x189A00, s0;
	[dreg:$0xd] =	wrdreg s16  }
0x1c: {  	[dreg:$0xf] =	wrdreg s21;
	s16 =	simm.s32 $0x600;
	s14 =	simm.s32 $0x8600  }
0x1d: {  	s15 =	simm.s32 $0x10600;
	s21 =	simm.s32 $0x180;
	s0 =	rddreg [dreg:$0x5]  }
0x1e: {  	[tilespmem:s2], [sflag:$0x5] =	stream.linear.gather [hbm4b:s0+s2], $0x200, $0x38;
	[tilespmem:$0x18600] =	vst v63  }
0x1f: {  	_ =	swait.ge [sflag:s29], $0x200  }
0x20: {  	[sflag:s29] =	ssyncset.done $0x0  }
0x21: {  	s20 =	rddreg [dreg:$0x6];
	[sflag:s29] =	ssyncadd.s32 $0xFFFFFE00  }
0x22: {  	[tilespmem:s26], [sflag:$0x5] =	stream.linear.gather [hbm4b:s20+s2], $0x200, $0x38;
	[tilespmem:$0x18600] =	vst v63  }
0x23: {  	_ =	swait.ge [sflag:s29], $0x200  }
0x24: {  	[sflag:s29] =	ssyncset.done $0x0  }
0x25: {  	s20 =	rddreg [dreg:$0x7];
	[sflag:s29] =	ssyncadd.s32 $0xFFFFFE00  }
0x26: {  	[tilespmem:s28], [sflag:$0x5] =	stream.linear.gather [hbm4b:s20+s2], $0x200, $0x38;
	[tilespmem:$0x18600] =	vst v63  }
0x27: {  	_ =	swait.ge [sflag:s29], $0x200  }
0x28: {  	[sflag:s29] =	ssyncset.done $0x0  }
0x29: {  	[sflag:s29] =	ssyncadd.s32 $0xFFFFFE00  }
0x2a: {  	[tilespmem:s16], [sflag:$0x1] =	stream.indirect.gather [hbm4b:s3+s19], $0x80, s2, s19, $0xb8;
	[tilespmem:$0x18600] =	vst v63  }
0x2b: {  	_ = 	snop  }
0x2c: {  	[tilespmem:s14], [sflag:$0x1] =	stream.indirect.gather [hbm4b:s4+s19], $0x80, s26, s19, $0xb8;
	[tilespmem:$0x18600] =	vst v63  }
0x2d: {  	_ = 	snop  }
0x2e: {  	[tilespmem:s15], [sflag:$0x1] =	stream.indirect.gather [hbm4b:s12+s19], $0x80, s28, s19, $0xb8;
	[tilespmem:$0x18600] =	vst v63  }
0x2f: {  	_ = 	snop  }
0x30: {  	[tilespmem:s10], [sflag:$0x2] =	stream.indirect.gather [hbm4b:s3+s19], $0x80, s19, s19, $0xb8;
	[tilespmem:$0x18600] =	vst v63  }
0x31: {  	_ = 	snop  }
0x32: {  	[tilespmem:s11], [sflag:$0x2] =	stream.indirect.gather [hbm4b:s4+s19], $0x80, s1, s19, $0xb8;
	[tilespmem:$0x18600] =	vst v63  }
0x33: {  	_ = 	snop  }
0x34: {  	[tilespmem:s13], [sflag:$0x2] =	stream.indirect.gather [hbm4b:s12+s19], $0x80, s31, s19, $0xb8;
	[tilespmem:$0x18600] =	vst v63  }
0x35: {  	_ =	swait.ge [sflag:s18], $0x4000  }
0x36: {  	[sflag:s18] =	ssyncset.done $0x0  }
0x37: {  	[sflag:s18] =	ssyncadd.s32 $0xFFFFC000  }
0x38: {  	_ =	swait.ge [sflag:s18], $0x4000  }
0x39: {  	[sflag:s18] =	ssyncset.done $0x0  }
0x3a: {  	[sflag:s18] =	ssyncadd.s32 $0xFFFFC000  }
0x3b: {  	_ =	swait.ge [sflag:s18], $0x4000  }
0x3c: {  	[sflag:s18] =	ssyncset.done $0x0  }
0x3d: {  	s0 =	rddreg [dreg:$0x8];
	[sflag:s18] =	ssyncadd.s32 $0xFFFFC000  }
0x3e: {  	[hbm4b:s0+s2] =	stream.linear.scatter [tilespmem:s16], [sflag:$0x3], $0x4000, $0x38;
	[tilespmem:$0x18600] =	vst v63  }
0x3f: {  	s1 =	rddreg [dreg:$0x9]  }
0x40: {  	[hbm4b:s1+s2] =	stream.linear.scatter [tilespmem:s14], [sflag:$0x3], $0x4000, $0x38;
	[tilespmem:$0x18600] =	vst v63  }
0x41: {  	s0 =	rddreg [dreg:$0xa]  }
0x42: {  	[hbm4b:s0+s2] =	stream.linear.scatter [tilespmem:s15], [sflag:$0x3], $0x4000, $0x38;
	[tilespmem:$0x18600] =	vst v63  }
0x43: {  	_ =	swait.ge [sflag:s9], $0x4000  }
0x44: {  	[sflag:s9] =	ssyncset.done $0x0  }
0x45: {  	[sflag:s9] =	ssyncadd.s32 $0xFFFFC000  }
0x46: {  	_ =	swait.ge [sflag:s9], $0x4000  }
0x47: {  	[sflag:s9] =	ssyncset.done $0x0  }
0x48: {  	[sflag:s9] =	ssyncadd.s32 $0xFFFFC000  }
0x49: {  	_ =	swait.ge [sflag:s9], $0x4000  }
0x4a: {  	[sflag:s9] =	ssyncset.done $0x0  }
0x4b: {  	s1 =	simm.s32 $0x100;
	[sflag:s9] =	ssyncadd.s32 $0xFFFFC000  }
0x4c: {  	[tilespmem:s16], [sflag:$0x1] =	stream.indirect.gather [hbm4b:s3+s19], $0x80, s1, s19, $0xb8;
	[tilespmem:$0x18600] =	vst v63  }
0x4d: {  	_ = 	snop  }
0x4e: {  	[tilespmem:s14], [sflag:$0x1] =	stream.indirect.gather [hbm4b:s4+s19], $0x80, s25, s19, $0xb8;
	[tilespmem:$0x18600] =	vst v63  }
0x4f: {  	_ = 	snop  }
0x50: {  	[tilespmem:s15], [sflag:$0x1] =	stream.indirect.gather [hbm4b:s12+s19], $0x80, s30, s19, $0xb8;
	[tilespmem:$0x18600] =	vst v63  }
0x51: {  	_ =	swait.ge [sflag:s17], $0x4000  }
0x52: {  	[sflag:s17] =	ssyncset.done $0x0  }
0x53: {  	[sflag:s17] =	ssyncadd.s32 $0xFFFFC000  }
0x54: {  	_ =	swait.ge [sflag:s17], $0x4000  }
0x55: {  	[sflag:s17] =	ssyncset.done $0x0  }
0x56: {  	[sflag:s17] =	ssyncadd.s32 $0xFFFFC000  }
0x57: {  	_ =	swait.ge [sflag:s17], $0x4000  }
0x58: {  	[sflag:s17] =	ssyncset.done $0x0  }
0x59: {  	s0 =	rddreg [dreg:$0xb];
	[sflag:s17] =	ssyncadd.s32 $0xFFFFC000  }
0x5a: {  	[hbm4b:s0+s2] =	stream.linear.scatter [tilespmem:s10], [sflag:$0x4], $0x4000, $0x38;
	[tilespmem:$0x18600] =	vst v63  }
0x5b: {  	s1 =	rddreg [dreg:$0xc]  }
0x5c: {  	[hbm4b:s1+s2] =	stream.linear.scatter [tilespmem:s11], [sflag:$0x4], $0x4000, $0x38;
	[tilespmem:$0x18600] =	vst v63  }
0x5d: {  	s0 =	rddreg [dreg:$0xd]  }
0x5e: {  	[hbm4b:s0+s2] =	stream.linear.scatter [tilespmem:s13], [sflag:$0x4], $0x4000, $0x38;
	[tilespmem:$0x18600] =	vst v63  }
0x5f: {  	_ =	swait.ge [sflag:s8], $0x4000  }
0x60: {  	[sflag:s8] =	ssyncset.done $0x0  }
0x61: {  	[sflag:s8] =	ssyncadd.s32 $0xFFFFC000  }
0x62: {  	_ =	swait.ge [sflag:s8], $0x4000  }
0x63: {  	[sflag:s8] =	ssyncset.done $0x0  }
0x64: {  	[sflag:s8] =	ssyncadd.s32 $0xFFFFC000  }
0x65: {  	_ =	swait.ge [sflag:s8], $0x4000  }
0x66: {  	[sflag:s8] =	ssyncset.done $0x0  }
0x67: {  	[sflag:s8] =	ssyncadd.s32 $0xFFFFC000  }
0x68: {  	[tilespmem:s10], [sflag:$0x2] =	stream.indirect.gather [hbm4b:s3+s19], $0x80, s21, s19, $0xb8;
	[tilespmem:$0x18600] =	vst v63  }
0x69: {  	_ = 	snop  }
0x6a: {  	[tilespmem:s11], [sflag:$0x2] =	stream.indirect.gather [hbm4b:s4+s19], $0x80, s22, s19, $0xb8;
	[tilespmem:$0x18600] =	vst v63  }
0x6b: {  	_ = 	snop  }
0x6c: {  	[tilespmem:s13], [sflag:$0x2] =	stream.indirect.gather [hbm4b:s12+s19], $0x80, s23, s19, $0xb8;
	[tilespmem:$0x18600] =	vst v63  }
0x6d: {  	_ =	swait.ge [sflag:s18], $0x4000  }
0x6e: {  	[sflag:s18] =	ssyncset.done $0x0  }
0x6f: {  	[sflag:s18] =	ssyncadd.s32 $0xFFFFC000  }
0x70: {  	_ =	swait.ge [sflag:s18], $0x4000  }
0x71: {  	[sflag:s18] =	ssyncset.done $0x0  }
0x72: {  	[sflag:s18] =	ssyncadd.s32 $0xFFFFC000  }
0x73: {  	_ =	swait.ge [sflag:s18], $0x4000  }
0x74: {  	[sflag:s18] =	ssyncset.done $0x0  }
0x75: {  	s0 =	rddreg [dreg:$0xe];
	[sflag:s18] =	ssyncadd.s32 $0xFFFFC000  }
0x76: {  	[hbm4b:s0+s2] =	stream.linear.scatter [tilespmem:s16], [sflag:$0x3], $0x4000, $0x38;
	[tilespmem:$0x18600] =	vst v63  }
0x77: {  	s1 =	rddreg [dreg:$0xf]  }
0x78: {  	[hbm4b:s1+s2] =	stream.linear.scatter [tilespmem:s14], [sflag:$0x3], $0x4000, $0x38;
	[tilespmem:$0x18600] =	vst v63  }
0x79: {  	s0 =	rddreg [dreg:$0x10]  }
0x7a: {  	[hbm4b:s0+s2] =	stream.linear.scatter [tilespmem:s15], [sflag:$0x3], $0x4000, $0x38;
	[tilespmem:$0x18600] =	vst v63  }
0x7b: {  	_ =	swait.ge [sflag:s17], $0x4000  }
0x7c: {  	[sflag:s17] =	ssyncset.done $0x0  }
0x7d: {  	[sflag:s17] =	ssyncadd.s32 $0xFFFFC000  }
0x7e: {  	_ =	swait.ge [sflag:s17], $0x4000  }
0x7f: {  	[sflag:s17] =	ssyncset.done $0x0  }
0x80: {  	[sflag:s17] =	ssyncadd.s32 $0xFFFFC000  }
0x81: {  	_ =	swait.ge [sflag:s17], $0x4000  }
0x82: {  	[sflag:s17] =	ssyncset.done $0x0  }
0x83: {  	[sflag:s17] =	ssyncadd.s32 $0xFFFFC000  }
0x84: {  	[hbm4b:s5+s2] =	stream.linear.scatter [tilespmem:s10], [sflag:$0x4], $0x4000, $0x38;
	[tilespmem:$0x18600] =	vst v63  }
0x85: {  	_ = 	snop  }
0x86: {  	[hbm4b:s6+s2] =	stream.linear.scatter [tilespmem:s11], [sflag:$0x4], $0x4000, $0x38;
	[tilespmem:$0x18600] =	vst v63  }
0x87: {  	_ = 	snop  }
0x88: {  	[hbm4b:s7+s2] =	stream.linear.scatter [tilespmem:s13], [sflag:$0x4], $0x4000, $0x38;
	[tilespmem:$0x18600] =	vst v63  }
0x89: {  	_ =	swait.ge [sflag:s9], $0x4000  }
0x8a: {  	[sflag:s9] =	ssyncset.done $0x0  }
0x8b: {  	[sflag:s9] =	ssyncadd.s32 $0xFFFFC000  }
0x8c: {  	_ =	swait.ge [sflag:s9], $0x4000  }
0x8d: {  	[sflag:s9] =	ssyncset.done $0x0  }
0x8e: {  	[sflag:s9] =	ssyncadd.s32 $0xFFFFC000  }
0x8f: {  	_ =	swait.ge [sflag:s9], $0x4000  }
0x90: {  	[sflag:s9] =	ssyncset.done $0x0  }
0x91: {  	[sflag:s9] =	ssyncadd.s32 $0xFFFFC000  }
0x92: {  	_ =	swait.ge [sflag:s8], $0x4000  }
0x93: {  	s20 =	smov.u32 s24;
	[sflag:s8] =	ssyncset.done $0x0  }
0x94: {  	p1 =	sne.s32 s20, $0x1;
	[sflag:s8] =	ssyncadd.s32 $0xFFFFC000  }
.Ltmp1:
0x95: {  	_ =	swait.ge [sflag:s8], $0x4000;
	(pc) =	sbr.rel @!p1 .LBB2_3-.Ltmp1, $4  }
0x96: {  	[sflag:s8] =	ssyncset.done $0x0  }
0x97: {  	p0 =	por $0x1, $0x1;
	[sflag:s8] =	ssyncadd.s32 $0xFFFFC000  }
0x98: {  	s24 =	simm.s32 $0x480;
	s31 =	simm.s32 $0x280;
	_ =	swait.ge [sflag:s8], $0x4000  }
0x99: {  	s1 =	sadd.s32 $0xFFFFFFFF, s20;
	s0 =	rddreg [dreg:$0x5];
	[sflag:s8] =	ssyncset.done $0x0  }
.LBB2_4:
0x9a: {  	[sflag:s8] =	ssyncadd.s32 $0xFFFFC000  }
0x9b: {  	[tilespmem:s2], [sflag:$0x5] =	stream.linear.gather [hbm4b:s0+s2], $0x200, $0x38;
	[tilespmem:$0x18600] =	vst v63  }
0x9c: {  	_ =	swait.ge [sflag:s29], $0x200  }
0x9d: {  	[sflag:s29] =	ssyncset.done $0x0  }
0x9e: {  	s20 =	rddreg [dreg:$0x6];
	[sflag:s29] =	ssyncadd.s32 $0xFFFFFE00  }
0x9f: {  	[tilespmem:s26], [sflag:$0x5] =	stream.linear.gather [hbm4b:s20+s2], $0x200, $0x38;
	[tilespmem:$0x18600] =	vst v63  }
0xa0: {  	_ =	swait.ge [sflag:s29], $0x200  }
0xa1: {  	[sflag:s29] =	ssyncset.done $0x0  }
0xa2: {  	s20 =	rddreg [dreg:$0x7];
	[sflag:s29] =	ssyncadd.s32 $0xFFFFFE00  }
0xa3: {  	[tilespmem:s28], [sflag:$0x5] =	stream.linear.gather [hbm4b:s20+s2], $0x200, $0x38;
	[tilespmem:$0x18600] =	vst v63  }
0xa4: {  	_ =	swait.ge [sflag:s29], $0x200  }
0xa5: {  	[sflag:s29] =	ssyncset.done $0x0  }
0xa6: {  	[sflag:s29] =	ssyncadd.s32 $0xFFFFFE00  }
0xa7: {  	[tilespmem:s16], [sflag:$0x1] =	stream.indirect.gather [hbm4b:s3+s19], $0x80, s2, s19, $0xb8;
	[tilespmem:$0x18600] =	vst v63  }
0xa8: {  	_ = 	snop  }
0xa9: {  	[tilespmem:s14], [sflag:$0x1] =	stream.indirect.gather [hbm4b:s4+s19], $0x80, s26, s19, $0xb8;
	[tilespmem:$0x18600] =	vst v63  }
0xaa: {  	_ = 	snop  }
0xab: {  	[tilespmem:s15], [sflag:$0x1] =	stream.indirect.gather [hbm4b:s12+s19], $0x80, s28, s19, $0xb8;
	[tilespmem:$0x18600] =	vst v63  }
0xac: {  	_ = 	snop  }
0xad: {  	[tilespmem:s10], [sflag:$0x2] =	stream.indirect.gather [hbm4b:s3+s19], $0x80, s19, s19, $0xb8;
	[tilespmem:$0x18600] =	vst v63  }
0xae: {  	_ = 	snop  }
0xaf: {  	[tilespmem:s11], [sflag:$0x2] =	stream.indirect.gather [hbm4b:s4+s19], $0x80, s31, s19, $0xb8;
	[tilespmem:$0x18600] =	vst v63  }
0xb0: {  	_ = 	snop  }
0xb1: {  	[tilespmem:s13], [sflag:$0x2] =	stream.indirect.gather [hbm4b:s12+s19], $0x80, s24, s19, $0xb8;
	[tilespmem:$0x18600] =	vst v63  }
0xb2: {  	_ =	swait.ge [sflag:s18], $0x4000  }
0xb3: {  	[sflag:s18] =	ssyncset.done $0x0  }
0xb4: {  	[sflag:s18] =	ssyncadd.s32 $0xFFFFC000  }
0xb5: {  	_ =	swait.ge [sflag:s18], $0x4000  }
0xb6: {  	[sflag:s18] =	ssyncset.done $0x0  }
0xb7: {  	[sflag:s18] =	ssyncadd.s32 $0xFFFFC000  }
0xb8: {  	_ =	swait.ge [sflag:s18], $0x4000  }
0xb9: {  	[sflag:s18] =	ssyncset.done $0x0  }
0xba: {  	s0 =	rddreg [dreg:$0x8];
	[sflag:s18] =	ssyncadd.s32 $0xFFFFC000  }
0xbb: {  	[hbm4b:s0+s2] =	stream.linear.scatter [tilespmem:s16], [sflag:$0x3], $0x4000, $0x38;
	[tilespmem:$0x18600] =	vst v63  }
0xbc: {  	s20 =	rddreg [dreg:$0x9]  }
0xbd: {  	[hbm4b:s20+s2] =	stream.linear.scatter [tilespmem:s14], [sflag:$0x3], $0x4000, $0x38;
	[tilespmem:$0x18600] =	vst v63  }
0xbe: {  	s0 =	rddreg [dreg:$0xa]  }
0xbf: {  	[hbm4b:s0+s2] =	stream.linear.scatter [tilespmem:s15], [sflag:$0x3], $0x4000, $0x38;
	[tilespmem:$0x18600] =	vst v63  }
0xc0: {  	_ =	swait.ge [sflag:s9], $0x4000  }
0xc1: {  	[sflag:s9] =	ssyncset.done $0x0  }
0xc2: {  	[sflag:s9] =	ssyncadd.s32 $0xFFFFC000  }
0xc3: {  	_ =	swait.ge [sflag:s9], $0x4000  }
0xc4: {  	[sflag:s9] =	ssyncset.done $0x0  }
0xc5: {  	[sflag:s9] =	ssyncadd.s32 $0xFFFFC000  }
0xc6: {  	_ =	swait.ge [sflag:s9], $0x4000  }
0xc7: {  	[sflag:s9] =	ssyncset.done $0x0  }
0xc8: {  	s20 =	simm.s32 $0x100;
	[sflag:s9] =	ssyncadd.s32 $0xFFFFC000  }
0xc9: {  	[tilespmem:s16], [sflag:$0x1] =	stream.indirect.gather [hbm4b:s3+s19], $0x80, s20, s19, $0xb8;
	[tilespmem:$0x18600] =	vst v63  }
0xca: {  	_ = 	snop  }
0xcb: {  	[tilespmem:s14], [sflag:$0x1] =	stream.indirect.gather [hbm4b:s4+s19], $0x80, s25, s19, $0xb8;
	[tilespmem:$0x18600] =	vst v63  }
0xcc: {  	_ = 	snop  }
0xcd: {  	[tilespmem:s15], [sflag:$0x1] =	stream.indirect.gather [hbm4b:s12+s19], $0x80, s30, s19, $0xb8;
	[tilespmem:$0x18600] =	vst v63  }
0xce: {  	_ =	swait.ge [sflag:s17], $0x4000  }
0xcf: {  	[sflag:s17] =	ssyncset.done $0x0  }
0xd0: {  	[sflag:s17] =	ssyncadd.s32 $0xFFFFC000  }
0xd1: {  	_ =	swait.ge [sflag:s17], $0x4000  }
0xd2: {  	[sflag:s17] =	ssyncset.done $0x0  }
0xd3: {  	[sflag:s17] =	ssyncadd.s32 $0xFFFFC000  }
0xd4: {  	_ =	swait.ge [sflag:s17], $0x4000  }
0xd5: {  	[sflag:s17] =	ssyncset.done $0x0  }
0xd6: {  	s0 =	rddreg [dreg:$0xb];
	[sflag:s17] =	ssyncadd.s32 $0xFFFFC000  }
0xd7: {  	[hbm4b:s0+s2] =	stream.linear.scatter [tilespmem:s10], [sflag:$0x4], $0x4000, $0x38;
	[tilespmem:$0x18600] =	vst v63  }
0xd8: {  	s20 =	rddreg [dreg:$0xc]  }
0xd9: {  	[hbm4b:s20+s2] =	stream.linear.scatter [tilespmem:s11], [sflag:$0x4], $0x4000, $0x38;
	[tilespmem:$0x18600] =	vst v63  }
0xda: {  	s0 =	rddreg [dreg:$0xd]  }
0xdb: {  	[hbm4b:s0+s2] =	stream.linear.scatter [tilespmem:s13], [sflag:$0x4], $0x4000, $0x38;
	[tilespmem:$0x18600] =	vst v63  }
0xdc: {  	_ =	swait.ge [sflag:s8], $0x4000  }
0xdd: {  	[sflag:s8] =	ssyncset.done $0x0  }
0xde: {  	[sflag:s8] =	ssyncadd.s32 $0xFFFFC000  }
0xdf: {  	_ =	swait.ge [sflag:s8], $0x4000  }
0xe0: {  	[sflag:s8] =	ssyncset.done $0x0  }
0xe1: {  	[sflag:s8] =	ssyncadd.s32 $0xFFFFC000  }
0xe2: {  	_ =	swait.ge [sflag:s8], $0x4000  }
0xe3: {  	[sflag:s8] =	ssyncset.done $0x0  }
0xe4: {  	[sflag:s8] =	ssyncadd.s32 $0xFFFFC000  }
0xe5: {  	[tilespmem:s10], [sflag:$0x2] =	stream.indirect.gather [hbm4b:s3+s19], $0x80, s21, s19, $0xb8;
	[tilespmem:$0x18600] =	vst v63  }
0xe6: {  	_ = 	snop  }
0xe7: {  	[tilespmem:s11], [sflag:$0x2] =	stream.indirect.gather [hbm4b:s4+s19], $0x80, s22, s19, $0xb8;
	[tilespmem:$0x18600] =	vst v63  }
0xe8: {  	_ = 	snop  }
0xe9: {  	[tilespmem:s13], [sflag:$0x2] =	stream.indirect.gather [hbm4b:s12+s19], $0x80, s23, s19, $0xb8;
	[tilespmem:$0x18600] =	vst v63  }
0xea: {  	_ =	swait.ge [sflag:s18], $0x4000  }
0xeb: {  	[sflag:s18] =	ssyncset.done $0x0  }
0xec: {  	[sflag:s18] =	ssyncadd.s32 $0xFFFFC000  }
0xed: {  	_ =	swait.ge [sflag:s18], $0x4000  }
0xee: {  	[sflag:s18] =	ssyncset.done $0x0  }
0xef: {  	[sflag:s18] =	ssyncadd.s32 $0xFFFFC000  }
0xf0: {  	_ =	swait.ge [sflag:s18], $0x4000  }
0xf1: {  	[sflag:s18] =	ssyncset.done $0x0  }
0xf2: {  	s0 =	rddreg [dreg:$0xe];
	[sflag:s18] =	ssyncadd.s32 $0xFFFFC000  }
0xf3: {  	[hbm4b:s0+s2] =	stream.linear.scatter [tilespmem:s16], [sflag:$0x3], $0x4000, $0x38;
	[tilespmem:$0x18600] =	vst v63  }
0xf4: {  	s20 =	rddreg [dreg:$0xf]  }
0xf5: {  	[hbm4b:s20+s2] =	stream.linear.scatter [tilespmem:s14], [sflag:$0x3], $0x4000, $0x38;
	[tilespmem:$0x18600] =	vst v63  }
0xf6: {  	s0 =	rddreg [dreg:$0x10]  }
0xf7: {  	[hbm4b:s0+s2] =	stream.linear.scatter [tilespmem:s15], [sflag:$0x3], $0x4000, $0x38;
	[tilespmem:$0x18600] =	vst v63  }
0xf8: {  	_ =	swait.ge [sflag:s17], $0x4000  }
0xf9: {  	[sflag:s17] =	ssyncset.done $0x0  }
0xfa: {  	[sflag:s17] =	ssyncadd.s32 $0xFFFFC000  }
0xfb: {  	_ =	swait.ge [sflag:s17], $0x4000  }
0xfc: {  	[sflag:s17] =	ssyncset.done $0x0  }
0xfd: {  	[sflag:s17] =	ssyncadd.s32 $0xFFFFC000  }
0xfe: {  	_ =	swait.ge [sflag:s17], $0x4000  }
0xff: {  	[sflag:s17] =	ssyncset.done $0x0  }
0x100: {  	[sflag:s17] =	ssyncadd.s32 $0xFFFFC000  }
0x101: {  	[hbm4b:s5+s2] =	stream.linear.scatter [tilespmem:s10], [sflag:$0x4], $0x4000, $0x38;
	[tilespmem:$0x18600] =	vst v63  }
0x102: {  	_ = 	snop  }
0x103: {  	[hbm4b:s6+s2] =	stream.linear.scatter [tilespmem:s11], [sflag:$0x4], $0x4000, $0x38;
	[tilespmem:$0x18600] =	vst v63  }
0x104: {  	_ = 	snop  }
0x105: {  	[hbm4b:s7+s2] =	stream.linear.scatter [tilespmem:s13], [sflag:$0x4], $0x4000, $0x38;
	[tilespmem:$0x18600] =	vst v63  }
0x106: {  	_ =	swait.ge [sflag:s9], $0x4000  }
0x107: {  	[sflag:s9] =	ssyncset.done $0x0  }
0x108: {  	[sflag:s9] =	ssyncadd.s32 $0xFFFFC000  }
0x109: {  	_ =	swait.ge [sflag:s9], $0x4000  }
0x10a: {  	[sflag:s9] =	ssyncset.done $0x0  }
0x10b: {  	[sflag:s9] =	ssyncadd.s32 $0xFFFFC000  }
0x10c: {  	_ =	swait.ge [sflag:s9], $0x4000  }
0x10d: {  	[sflag:s9] =	ssyncset.done $0x0  }
0x10e: {  	[sflag:s9] =	ssyncadd.s32 $0xFFFFC000  }
0x10f: {  	_ =	swait.ge [sflag:s8], $0x4000  }
0x110: {  	[sflag:s8] =	ssyncset.done $0x0  }
0x111: {  	p1 =	sne.s32 s1, $0x1;
	[sflag:s8] =	ssyncadd.s32 $0xFFFFC000  }
.Ltmp2:
0x112: {  	_ =	swait.ge [sflag:s8], $0x4000;
	(pc) =	sbr.rel @p1 .LBB2_4-.Ltmp2, $4  }
0x113: {  	[sflag:s8] =	ssyncset.done $0x0  }
0x114: {  	[sflag:s8] =	ssyncadd.s32 $0xFFFFC000  }
0x115: {  	_ =	swait.ge [sflag:s8], $0x4000  }
0x116: {  	s1 =	sadd.s32 $0xFFFFFFFF, s1;
	s0 =	rddreg [dreg:$0x5];
	[sflag:s8] =	ssyncset.done $0x0  }
0x117: {  	s30 =	simm.s32 $0x500;
	s25 =	simm.s32 $0x300;
	s24 =	simm.s32 $0x100  }
0x118: {  	s23 =	simm.s32 $0x580;
	s22 =	simm.s32 $0x380;
	s21 =	simm.s32 $0x180  }
0x119: {  	s20 =	stileid.u32;
	s1 =	simm.s32 $0x280;
	s31 =	simm.s32 $0x480  }
.LBB2_6:
0x11a: {  	[sflag:s8] =	ssyncadd.s32 @p0 $0xFFFFC000  }
0x11b: {  	[tilespmem:s2], [sflag:$0x5] =	stream.linear.gather [hbm4b:s0+s2], $0x200, $0x38;
	[tilespmem:$0x18600] =	vst v63  }
0x11c: {  	_ =	swait.ge [sflag:s29], $0x200  }
0x11d: {  	[sflag:s29] =	ssyncset.done $0x0  }
0x11e: {  	s0 =	rddreg [dreg:$0x6];
	[sflag:s29] =	ssyncadd.s32 $0xFFFFFE00  }
0x11f: {  	[tilespmem:s26], [sflag:$0x5] =	stream.linear.gather [hbm4b:s0+s2], $0x200, $0x38;
	[tilespmem:$0x18600] =	vst v63  }
0x120: {  	_ =	swait.ge [sflag:s29], $0x200  }
0x121: {  	[sflag:s29] =	ssyncset.done $0x0  }
0x122: {  	s0 =	rddreg [dreg:$0x7];
	[sflag:s29] =	ssyncadd.s32 $0xFFFFFE00  }
0x123: {  	[tilespmem:s28], [sflag:$0x5] =	stream.linear.gather [hbm4b:s0+s2], $0x200, $0x38;
	[tilespmem:$0x18600] =	vst v63  }
0x124: {  	_ =	swait.ge [sflag:s29], $0x200  }
0x125: {  	[sflag:s29] =	ssyncset.done $0x0  }
0x126: {  	[sflag:s29] =	ssyncadd.s32 $0xFFFFFE00  }
0x127: {  	[tilespmem:s16], [sflag:$0x1] =	stream.indirect.gather [hbm4b:s3+s19], $0x80, s2, s19, $0xb8;
	[tilespmem:$0x18600] =	vst v63  }
0x128: {  	_ = 	snop  }
0x129: {  	[tilespmem:s14], [sflag:$0x1] =	stream.indirect.gather [hbm4b:s4+s19], $0x80, s26, s19, $0xb8;
	[tilespmem:$0x18600] =	vst v63  }
0x12a: {  	_ = 	snop  }
0x12b: {  	[tilespmem:s15], [sflag:$0x1] =	stream.indirect.gather [hbm4b:s12+s19], $0x80, s28, s19, $0xb8;
	[tilespmem:$0x18600] =	vst v63  }
0x12c: {  	_ = 	snop  }
0x12d: {  	[tilespmem:s10], [sflag:$0x2] =	stream.indirect.gather [hbm4b:s3+s19], $0x80, s19, s19, $0xb8;
	[tilespmem:$0x18600] =	vst v63  }
0x12e: {  	_ = 	snop  }
0x12f: {  	[tilespmem:s11], [sflag:$0x2] =	stream.indirect.gather [hbm4b:s4+s19], $0x80, s1, s19, $0xb8;
	[tilespmem:$0x18600] =	vst v63  }
0x130: {  	_ = 	snop  }
0x131: {  	[tilespmem:s13], [sflag:$0x2] =	stream.indirect.gather [hbm4b:s12+s19], $0x80, s31, s19, $0xb8;
	[tilespmem:$0x18600] =	vst v63  }
0x132: {  	_ =	swait.ge [sflag:s18], $0x4000  }
0x133: {  	[sflag:s18] =	ssyncset.done $0x0  }
0x134: {  	[sflag:s18] =	ssyncadd.s32 $0xFFFFC000  }
0x135: {  	_ =	swait.ge [sflag:s18], $0x4000  }
0x136: {  	[sflag:s18] =	ssyncset.done $0x0  }
0x137: {  	[sflag:s18] =	ssyncadd.s32 $0xFFFFC000  }
0x138: {  	_ =	swait.ge [sflag:s18], $0x4000  }
0x139: {  	[sflag:s18] =	ssyncset.done $0x0  }
0x13a: {  	s28 =	rddreg [dreg:$0x8];
	[sflag:s18] =	ssyncadd.s32 $0xFFFFC000  }
0x13b: {  	[hbm4b:s28+s2] =	stream.linear.scatter [tilespmem:s16], [sflag:$0x3], $0x4000, $0x38;
	[tilespmem:$0x18600] =	vst v63  }
0x13c: {  	s29 =	rddreg [dreg:$0x9]  }
0x13d: {  	[hbm4b:s29+s2] =	stream.linear.scatter [tilespmem:s14], [sflag:$0x3], $0x4000, $0x38;
	[tilespmem:$0x18600] =	vst v63  }
0x13e: {  	s31 =	rddreg [dreg:$0xa]  }
0x13f: {  	[hbm4b:s31+s2] =	stream.linear.scatter [tilespmem:s15], [sflag:$0x3], $0x4000, $0x38;
	[tilespmem:$0x18600] =	vst v63  }
0x140: {  	_ =	swait.ge [sflag:s9], $0x4000  }
0x141: {  	[sflag:s9] =	ssyncset.done $0x0  }
0x142: {  	[sflag:s9] =	ssyncadd.s32 $0xFFFFC000  }
0x143: {  	_ =	swait.ge [sflag:s9], $0x4000  }
0x144: {  	[sflag:s9] =	ssyncset.done $0x0  }
0x145: {  	[sflag:s9] =	ssyncadd.s32 $0xFFFFC000  }
0x146: {  	_ =	swait.ge [sflag:s9], $0x4000  }
0x147: {  	[sflag:s9] =	ssyncset.done $0x0  }
0x148: {  	[sflag:s9] =	ssyncadd.s32 $0xFFFFC000  }
0x149: {  	[tilespmem:s16], [sflag:$0x1] =	stream.indirect.gather [hbm4b:s3+s19], $0x80, s24, s19, $0xb8;
	[tilespmem:$0x18600] =	vst v63  }
0x14a: {  	_ = 	snop  }
0x14b: {  	[tilespmem:s14], [sflag:$0x1] =	stream.indirect.gather [hbm4b:s4+s19], $0x80, s25, s19, $0xb8;
	[tilespmem:$0x18600] =	vst v63  }
0x14c: {  	_ = 	snop  }
0x14d: {  	[tilespmem:s15], [sflag:$0x1] =	stream.indirect.gather [hbm4b:s12+s19], $0x80, s30, s19, $0xb8;
	[tilespmem:$0x18600] =	vst v63  }
0x14e: {  	_ =	swait.ge [sflag:s17], $0x4000  }
0x14f: {  	[sflag:s17] =	ssyncset.done $0x0  }
0x150: {  	[sflag:s17] =	ssyncadd.s32 $0xFFFFC000  }
0x151: {  	_ =	swait.ge [sflag:s17], $0x4000  }
0x152: {  	[sflag:s17] =	ssyncset.done $0x0  }
0x153: {  	[sflag:s17] =	ssyncadd.s32 $0xFFFFC000  }
0x154: {  	_ =	swait.ge [sflag:s17], $0x4000  }
0x155: {  	[sflag:s17] =	ssyncset.done $0x0  }
0x156: {  	s25 =	rddreg [dreg:$0xb];
	[sflag:s17] =	ssyncadd.s32 $0xFFFFC000  }
0x157: {  	[hbm4b:s25+s2] =	stream.linear.scatter [tilespmem:s10], [sflag:$0x4], $0x4000, $0x38;
	[tilespmem:$0x18600] =	vst v63  }
0x158: {  	s26 =	rddreg [dreg:$0xc]  }
0x159: {  	[hbm4b:s26+s2] =	stream.linear.scatter [tilespmem:s11], [sflag:$0x4], $0x4000, $0x38;
	[tilespmem:$0x18600] =	vst v63  }
0x15a: {  	s28 =	rddreg [dreg:$0xd]  }
0x15b: {  	[hbm4b:s28+s2] =	stream.linear.scatter [tilespmem:s13], [sflag:$0x4], $0x4000, $0x38;
	[tilespmem:$0x18600] =	vst v63  }
0x15c: {  	_ =	swait.ge [sflag:s8], $0x4000  }
0x15d: {  	[sflag:s8] =	ssyncset.done $0x0  }
0x15e: {  	[sflag:s8] =	ssyncadd.s32 $0xFFFFC000  }
0x15f: {  	_ =	swait.ge [sflag:s8], $0x4000  }
0x160: {  	[sflag:s8] =	ssyncset.done $0x0  }
0x161: {  	[sflag:s8] =	ssyncadd.s32 $0xFFFFC000  }
0x162: {  	_ =	swait.ge [sflag:s8], $0x4000  }
0x163: {  	[sflag:s8] =	ssyncset.done $0x0  }
0x164: {  	[sflag:s8] =	ssyncadd.s32 $0xFFFFC000  }
0x165: {  	[tilespmem:s10], [sflag:$0x2] =	stream.indirect.gather [hbm4b:s3+s19], $0x80, s21, s19, $0xb8;
	[tilespmem:$0x18600] =	vst v63  }
0x166: {  	_ = 	snop  }
0x167: {  	[tilespmem:s11], [sflag:$0x2] =	stream.indirect.gather [hbm4b:s4+s19], $0x80, s22, s19, $0xb8;
	[tilespmem:$0x18600] =	vst v63  }
0x168: {  	_ = 	snop  }
0x169: {  	[tilespmem:s13], [sflag:$0x2] =	stream.indirect.gather [hbm4b:s12+s19], $0x80, s23, s19, $0xb8;
	[tilespmem:$0x18600] =	vst v63  }
0x16a: {  	_ =	swait.ge [sflag:s18], $0x4000  }
0x16b: {  	[sflag:s18] =	ssyncset.done $0x0  }
0x16c: {  	[sflag:s18] =	ssyncadd.s32 $0xFFFFC000  }
0x16d: {  	_ =	swait.ge [sflag:s18], $0x4000  }
0x16e: {  	[sflag:s18] =	ssyncset.done $0x0  }
0x16f: {  	[sflag:s18] =	ssyncadd.s32 $0xFFFFC000  }
0x170: {  	_ =	swait.ge [sflag:s18], $0x4000  }
0x171: {  	[sflag:s18] =	ssyncset.done $0x0  }
0x172: {  	s29 =	rddreg [dreg:$0xe];
	[sflag:s18] =	ssyncadd.s32 $0xFFFFC000  }
0x173: {  	[hbm4b:s29+s2] =	stream.linear.scatter [tilespmem:s16], [sflag:$0x3], $0x4000, $0x38;
	[tilespmem:$0x18600] =	vst v63  }
0x174: {  	s30 =	rddreg [dreg:$0xf]  }
0x175: {  	[hbm4b:s30+s2] =	stream.linear.scatter [tilespmem:s14], [sflag:$0x3], $0x4000, $0x38;
	[tilespmem:$0x18600] =	vst v63  }
0x176: {  	s31 =	rddreg [dreg:$0x10]  }
0x177: {  	[hbm4b:s31+s2] =	stream.linear.scatter [tilespmem:s15], [sflag:$0x3], $0x4000, $0x38;
	[tilespmem:$0x18600] =	vst v63  }
0x178: {  	_ =	swait.ge [sflag:s17], $0x4000  }
0x179: {  	[sflag:s17] =	ssyncset.done $0x0  }
0x17a: {  	[sflag:s17] =	ssyncadd.s32 $0xFFFFC000  }
0x17b: {  	_ =	swait.ge [sflag:s17], $0x4000  }
0x17c: {  	[sflag:s17] =	ssyncset.done $0x0  }
0x17d: {  	[sflag:s17] =	ssyncadd.s32 $0xFFFFC000  }
0x17e: {  	_ =	swait.ge [sflag:s17], $0x4000  }
0x17f: {  	[sflag:s17] =	ssyncset.done $0x0  }
0x180: {  	[sflag:s17] =	ssyncadd.s32 $0xFFFFC000  }
0x181: {  	[hbm4b:s5+s2] =	stream.linear.scatter [tilespmem:s10], [sflag:$0x4], $0x4000, $0x38;
	[tilespmem:$0x18600] =	vst v63  }
0x182: {  	_ = 	snop  }
0x183: {  	[hbm4b:s6+s2] =	stream.linear.scatter [tilespmem:s11], [sflag:$0x4], $0x4000, $0x38;
	[tilespmem:$0x18600] =	vst v63  }
0x184: {  	_ = 	snop  }
0x185: {  	[hbm4b:s7+s2] =	stream.linear.scatter [tilespmem:s13], [sflag:$0x4], $0x4000, $0x38;
	[tilespmem:$0x18600] =	vst v63  }
0x186: {  	_ =	swait.ge [sflag:s9], $0x4000  }
0x187: {  	[sflag:s9] =	ssyncset.done $0x0  }
0x188: {  	[sflag:s9] =	ssyncadd.s32 $0xFFFFC000  }
0x189: {  	_ =	swait.ge [sflag:s9], $0x4000  }
0x18a: {  	[sflag:s9] =	ssyncset.done $0x0  }
0x18b: {  	[sflag:s9] =	ssyncadd.s32 $0xFFFFC000  }
0x18c: {  	_ =	swait.ge [sflag:s9], $0x4000  }
0x18d: {  	[sflag:s9] =	ssyncset.done $0x0  }
0x18e: {  	[sflag:s9] =	ssyncadd.s32 $0xFFFFC000  }
0x18f: {  	_ =	swait.ge [sflag:s8], $0x4000  }
0x190: {  	[sflag:s8] =	ssyncset.done $0x0  }
0x191: {  	[sflag:s8] =	ssyncadd.s32 $0xFFFFC000  }
0x192: {  	_ =	swait.ge [sflag:s8], $0x4000  }
0x193: {  	[sflag:s8] =	ssyncset.done $0x0  }
0x194: {  	[sflag:s8] =	ssyncadd.s32 $0xFFFFC000  }
0x195: {  	_ =	swait.ge [sflag:s8], $0x4000  }
0x196: {  	[sflag:s8] =	ssyncset.done $0x0  }
0x197: {  	[sflag:s8] =	ssyncadd.s32 $0xFFFFC000  }
0x198: {  	_ =	sfence.sel $0x180000  }
0x199: {  	[bflag:$0x0] =	sbarrier.arrive $0xFFFF  }
0x19a: {  	_ =	strace $0x90000047  }
0x19b: {  	[bflag:$0x2] =	sbarrier.arrive $0xFFFF  }
0x19c: {  	p0 =	sne.s32 s20, $0x0;
	s0 =	rddreg [dreg:$0x4]  }
0x19d: {  	s0 =	sadd.s32 @!p0 $0x100000, s0  }
0x19e: {  	[sflag:s0] =	ssyncadd.tile.s32 @!p0 $0x1;
	_ =	shalt  }
.LBB2_1:
.Ltmp3:
0x19f: {  	(pc) =	sbr.rel .LBB2_6-.Ltmp3, $3  }
0x1a0: {  	_ =	sdelay $0x1  }
0x1a1: {  	s30 =	simm.s32 $0x500;
	s25 =	simm.s32 $0x300;
	s24 =	simm.s32 $0x100  }
0x1a2: {  	s23 =	simm.s32 $0x580;
	s22 =	simm.s32 $0x380;
	s21 =	simm.s32 $0x180  }
.LBB2_3:
.Ltmp4:
0x1a3: {  	(pc) =	sbr.rel .LBB2_6-.Ltmp4, $4  }
0x1a4: {  	_ = 	snop  }
0x1a5: {  	s30 =	simm.s32 $0x500;
	s25 =	simm.s32 $0x300;
	s24 =	simm.s32 $0x100  }
0x1a6: {  	s23 =	simm.s32 $0x580;
	s22 =	simm.s32 $0x380;
	s21 =	simm.s32 $0x180  }
0x1a7: {  	s20 =	stileid.u32;
	s1 =	simm.s32 $0x280;
	s31 =	simm.s32 $0x480  }
.Lfunc_end2:
_tile_overlayer_lowered:
.L_overlay_start_2:
0x1a8: {  	(tag) =	ssettag $0x2  }
0x1a9: {  	s0 =	rddreg [dreg:$0x0];
	s2 =	stileid.u32  }
0x1aa: {  	s1 =	rddreg [dreg:$0x1];
	p0 =	sne.s32 s2, $0x0  }
0x1ab: {  	s3 =	rddreg [dreg:$0x2];
	[bflag:$0x3] =	sbarrier.arrive $0xFFFF;
	s2 =	simm.s32 @!p0 $0x1C05  }
0x1ac: {  	[timem:s3], [sflag:s2] =	dma.local @!p0 [hbm:s0], s1  }
0x1ad: {  	s0 =	simm.s32 @!p0 $0x5  }
0x1ae: {  	_ =	swait.ge @!p0 [sflag:s0], s1  }
0x1af: {  	s1 =	ssub.s32 @!p0 $0x0, s1;
	[sflag:s0] =	ssyncset.done @!p0 $0x0  }
0x1b0: {  	[sflag:s0] =	ssyncadd.s32 @!p0 s1  }
0x1b1: {  	[bflag:$0x3] =	sbarrier.arrive $0xFFFF  }
0x1b2: {  	_ =	shalt  }

</sc_bundles>
